<compile_context>
chip_gen: v7x
topology: tpu7x:2x2x1
jax: 0.10.2.dev20260603
libtpu: 0.0.44.dev20260713+nightly
codegen_flags: <defaults>
</compile_context>

<pallas_src>
import functools

import jax
import jax.numpy as jnp
from jax import lax
from jax.experimental import pallas as pl
from jax.experimental.pallas import tpu as pltpu
from jax.experimental.pallas import tpu_sc as plsc


def _tc_stage(x_r, e, total_count):
    B, C, HW = x_r.shape
    K = e.shape[1]
    inv_count = 1.0 / total_count

    def body(x_ref, e_ref, idx_ref, loss_ref, acc_ref):
        i = pl.program_id(0)
        xb = x_ref[0]
        et = e_ref[...]
        x2 = jnp.sum(xb * xb, axis=0)
        e2 = jnp.sum(et * et, axis=0)
        xe_t = lax.dot_general(
            et * -2.0, xb, (((0,), (0,)), ((), ())),
            preferred_element_type=jnp.float32)
        scores_t = (x2[None, :] + xe_t) + e2[:, None]
        mins = jnp.min(scores_t, axis=0)
        idx = jnp.argmin(scores_t, axis=0).astype(jnp.int32)
        idx_ref[0, 0, :] = idx

        @pl.when(i == 0)
        def _():
            acc_ref[...] = jnp.zeros_like(acc_ref)

        acc_ref[...] += mins.reshape(acc_ref.shape)

        @pl.when(i == pl.num_programs(0) - 1)
        def _():
            loss_ref[0, 0] = jnp.sum(acc_ref[...]) * inv_count

    return pl.pallas_call(
        body,
        grid=(B,),
        in_specs=[
            pl.BlockSpec((1, C, HW), lambda i: (i, 0, 0)),
            pl.BlockSpec((C, K), lambda i: (0, 0)),
        ],
        out_specs=[
            pl.BlockSpec((1, 1, HW), lambda i: (i, 0, 0)),
            pl.BlockSpec(block_shape=(1, 1), index_map=lambda i: (0, 0),
                         memory_space=pltpu.SMEM),
        ],
        out_shape=[
            jax.ShapeDtypeStruct((B, 1, HW), jnp.int32),
            jax.ShapeDtypeStruct((1, 1), jnp.float32),
        ],
        scratch_shapes=[pltpu.VMEM((8, HW // 8), jnp.float32)],
        compiler_params=pltpu.CompilerParams(
            dimension_semantics=("arbitrary",)),
    )(x_r, e)


def _sc_gather(table, idx2d):
    K, C = table.shape
    R, CH = idx2d.shape
    info = plsc.get_sparse_core_info()
    NW = info.num_cores * info.num_subcores
    nch = R // NW
    NB = min(3, nch)

    mesh = plsc.VectorSubcoreMesh(core_axis_name="c", subcore_axis_name="s")

    @functools.partial(
        pl.kernel,
        mesh=mesh,
        out_type=jax.ShapeDtypeStruct((R * CH, C), jnp.float32),
        scratch_types=[
            pltpu.VMEM((nch, CH), jnp.int32),
        ]
        + [pltpu.VMEM((CH, C), jnp.float32) for _ in range(NB)]
        + [pltpu.SemaphoreType.DMA for _ in range(2 * NB)],
    )
    def k(table_hbm, idx_hbm, out_hbm, idx_v, *rest):
        bufs = rest[:NB]
        gsems = rest[NB:2 * NB]
        osems = rest[2 * NB:]
        wid = lax.axis_index("s") * info.num_cores + lax.axis_index("c")
        row0 = wid * nch
        pltpu.sync_copy(idx_hbm.at[pl.ds(row0, nch)], idx_v)
        gh = [None] * nch
        oh = [None] * nch
        for c in range(NB):
            gh[c] = pltpu.async_copy(table_hbm.at[idx_v.at[c]], bufs[c],
                                     gsems[c])
        for c in range(nch):
            b = c % NB
            gh[c].wait()
            oh[c] = pltpu.async_copy(
                bufs[b], out_hbm.at[pl.ds((row0 + c) * CH, CH)], osems[b])
            n = c + NB
            if n < nch:
                oh[c].wait()
                gh[n] = pltpu.async_copy(table_hbm.at[idx_v.at[n]], bufs[b],
                                         gsems[b])
        for c in range(max(0, nch - NB), nch):
            oh[c].wait()

    return k(table, idx2d)


def kernel(x, e_i_ts):
    B, C, H, W = x.shape
    HW = H * W
    x_r = x.reshape(B, C, HW)
    table = e_i_ts.T
    total = B * C * HW
    idx3, loss_arr = _tc_stage(x_r, e_i_ts, total)
    q_flat = _sc_gather(table, idx3.reshape(-1, 128))
    q = q_flat.reshape(B, H, W, C).transpose(0, 3, 1, 2)
    loss = loss_arr[0, 0]
    return (q, loss, loss, idx3.reshape(B, HW))

# --- scband reference (transcript-rebuilt; emitter-appended) ---
"""Pipeline reference for scband-vector-quantizer-block-5068061409692 (READ-ONLY COPY).

The authoritative reference and input builder live on the scoring server;
editing this copy changes nothing except your own understanding.
"""

import jax, jax.numpy as jnp
import numpy as np

NUM_EMBEDDINGS = 1024
EMBEDDING_DIM = 256


def setup_inputs(seed: int = 0) -> dict:
    key = jax.random.key(seed)
    k_x, k_e = jax.random.split(key)
    x = jax.random.normal(k_x, (16, 256, 32, 32), dtype=jnp.float32)
    limit = 3.0 ** 0.5
    e_i_ts = jax.random.uniform(k_e, (EMBEDDING_DIM, NUM_EMBEDDINGS), dtype=jnp.float32, minval=-limit, maxval=limit)
    return {"x": x, "e_i_ts": e_i_ts}


def reference(x, e_i_ts):
    B, C, H, W = x.shape
    permuted_x = jnp.transpose(x, (0, 2, 3, 1))
    flatten_x = permuted_x.reshape(-1, C)
    distances = (flatten_x ** 2).sum(axis=1, keepdims=True) - 2.0 * (flatten_x @ e_i_ts) + (e_i_ts ** 2).sum(axis=0, keepdims=True)
    encoding_indices = jnp.argmin(distances, axis=1)
    codebook = e_i_ts.T  # [K, C]
    quantized = jnp.take(codebook, encoding_indices.reshape(B, H, W), axis=0)  # [B, H, W, C]
    quantized = jnp.transpose(quantized, (0, 3, 1, 2))  # [B, C, H, W]
    dictionary_loss = jnp.mean((jax.lax.stop_gradient(x) - quantized) ** 2)
    commitment_loss = jnp.mean((x - jax.lax.stop_gradient(quantized)) ** 2)
    quantized_st = x + jax.lax.stop_gradient(quantized - x)
    return (quantized_st, dictionary_loss, commitment_loss, encoding_indices.reshape(B, -1))

if __name__ == "__main__":
    import jax
    _d = setup_inputs()
    print(jax.jit(kernel)(*tuple(_d.values())))

</pallas_src>

<mosaic_0001>
#map = affine_map<(d0, d1) -> (0, 0)>
module attributes {stable_mosaic.version = 14 : i64} {
  func.func @k(%arg0: i32, %arg1: i32, %arg2: memref<1024x256xf32, #tpu.memory_space<hbm>>, %arg3: memref<128x128xi32, #tpu.memory_space<hbm>>, %arg4: memref<16384x256xf32, #tpu.memory_space<hbm>>, %arg5: memref<4x128xi32, #tpu.memory_space<vmem>>, %arg6: memref<128x256xf32, #tpu.memory_space<vmem>>, %arg7: memref<128x256xf32, #tpu.memory_space<vmem>>, %arg8: memref<128x256xf32, #tpu.memory_space<vmem>>, %arg9: memref<!tpu.dma_semaphore, #tpu.memory_space<semaphore_mem>>, %arg10: memref<!tpu.dma_semaphore, #tpu.memory_space<semaphore_mem>>, %arg11: memref<!tpu.dma_semaphore, #tpu.memory_space<semaphore_mem>>, %arg12: memref<!tpu.dma_semaphore, #tpu.memory_space<semaphore_mem>>, %arg13: memref<!tpu.dma_semaphore, #tpu.memory_space<semaphore_mem>>, %arg14: memref<!tpu.dma_semaphore, #tpu.memory_space<semaphore_mem>>) attributes {dimension_semantics = [#tpu.dimension_semantics<core_parallel>, #tpu.dimension_semantics<subcore_parallel>], iteration_bounds = array<i64: 2, 16>, scalar_prefetch = 0 : i64, scratch_operands = 10 : i64, tpu.core_type = #tpu.core_type<sc_vector_subcore>, window_params = [{transform_indices = #map}, {transform_indices = #map}, {transform_indices = #map}]} {
    %mul3A = arith.constant 2 : i32
    %mul3A_0 = arith.muli %arg1, %mul3A : i32
    %add3A = arith.addi %mul3A_0, %arg0 : i32
    %mul3A_1 = arith.constant 4 : i32
    %mul3A_2 = arith.muli %add3A, %mul3A_1 : i32
    "tpu.region"() ({
      %run_scoped3A = tpu.sem_alloc : memref<!tpu.dma_semaphore, #tpu.memory_space<semaphore_mem>>
      %dma_start3A_105 = arith.constant 0 : i32
      %dma_start3A_106 = tpu.memref_slice %arg3[%mul3A_2, %dma_start3A_105] : memref<128x128xi32, #tpu.memory_space<hbm>> -> memref<4x128xi32, #tpu.memory_space<hbm>>
      %dma_start3A_107 = arith.constant 0 : i32
      %dma_start3A_108 = tpu.memref_slice %arg3[%mul3A_2, %dma_start3A_107] : memref<128x128xi32, #tpu.memory_space<hbm>> -> memref<4x128xi32, #tpu.memory_space<hbm>>
      tpu.enqueue_dma source(%dma_start3A_108 : memref<4x128xi32, #tpu.memory_space<hbm>>) target(%arg5 : memref<4x128xi32, #tpu.memory_space<vmem>>) target_semaphore(%run_scoped3A : memref<!tpu.dma_semaphore, #tpu.memory_space<semaphore_mem>>)
      %dma_wait3A_109 = arith.constant 0 : i32
      %dma_wait3A_110 = tpu.memref_slice %arg3[%mul3A_2, %dma_wait3A_109] : memref<128x128xi32, #tpu.memory_space<hbm>> -> memref<4x128xi32, #tpu.memory_space<hbm>>
      %dma_wait3A_111 = arith.constant 0 : i32
      %dma_wait3A_112 = tpu.memref_slice %arg3[%mul3A_2, %dma_wait3A_111] : memref<128x128xi32, #tpu.memory_space<hbm>> -> memref<4x128xi32, #tpu.memory_space<hbm>>
      tpu.wait_dma2 semaphore(%run_scoped3A : memref<!tpu.dma_semaphore, #tpu.memory_space<semaphore_mem>>) src(%dma_wait3A_112 : memref<4x128xi32, #tpu.memory_space<hbm>>) dst(%arg5 : memref<4x128xi32, #tpu.memory_space<vmem>>)
      tpu.yield
    }) : () -> ()
    %dma_start3A = arith.constant 0 : i32
    %dma_start3A_3 = arith.constant 0 : i32
    %dma_start3A_4 = tpu.memref_slice %arg5[%dma_start3A, %dma_start3A_3] : memref<4x128xi32, #tpu.memory_space<vmem>> -> memref<1x128xi32, #tpu.memory_space<vmem>>
    %dma_start3A_5 = tpu.memref_squeeze %dma_start3A_4 : memref<1x128xi32, #tpu.memory_space<vmem>> -> memref<128xi32, #tpu.memory_space<vmem>>
    %dma_start3A_6 = arith.constant 0 : i32
    %dma_start3A_7 = arith.constant 0 : i32
    %dma_start3A_8 = tpu.memref_slice %arg2[%dma_start3A_6, %dma_start3A_7] : memref<1024x256xf32, #tpu.memory_space<hbm>> -> memref<1024x256xf32, #tpu.memory_space<hbm>>
    tpu.enqueue_indirect_dma source(%dma_start3A_8 : memref<1024x256xf32, #tpu.memory_space<hbm>>) target(%arg6 : memref<128x256xf32, #tpu.memory_space<vmem>>) offsets(%dma_start3A_5 : memref<128xi32, #tpu.memory_space<vmem>>) semaphore(%arg9 : memref<!tpu.dma_semaphore, #tpu.memory_space<semaphore_mem>>)
    %dma_start3A_9 = arith.constant 1 : i32
    %dma_start3A_10 = arith.constant 0 : i32
    %dma_start3A_11 = tpu.memref_slice %arg5[%dma_start3A_9, %dma_start3A_10] : memref<4x128xi32, #tpu.memory_space<vmem>> -> memref<1x128xi32, #tpu.memory_space<vmem>>
    %dma_start3A_12 = tpu.memref_squeeze %dma_start3A_11 : memref<1x128xi32, #tpu.memory_space<vmem>> -> memref<128xi32, #tpu.memory_space<vmem>>
    %dma_start3A_13 = arith.constant 0 : i32
    %dma_start3A_14 = arith.constant 0 : i32
    %dma_start3A_15 = tpu.memref_slice %arg2[%dma_start3A_13, %dma_start3A_14] : memref<1024x256xf32, #tpu.memory_space<hbm>> -> memref<1024x256xf32, #tpu.memory_space<hbm>>
    tpu.enqueue_indirect_dma source(%dma_start3A_15 : memref<1024x256xf32, #tpu.memory_space<hbm>>) target(%arg7 : memref<128x256xf32, #tpu.memory_space<vmem>>) offsets(%dma_start3A_12 : memref<128xi32, #tpu.memory_space<vmem>>) semaphore(%arg10 : memref<!tpu.dma_semaphore, #tpu.memory_space<semaphore_mem>>)
    %dma_start3A_16 = arith.constant 2 : i32
    %dma_start3A_17 = arith.constant 0 : i32
    %dma_start3A_18 = tpu.memref_slice %arg5[%dma_start3A_16, %dma_start3A_17] : memref<4x128xi32, #tpu.memory_space<vmem>> -> memref<1x128xi32, #tpu.memory_space<vmem>>
    %dma_start3A_19 = tpu.memref_squeeze %dma_start3A_18 : memref<1x128xi32, #tpu.memory_space<vmem>> -> memref<128xi32, #tpu.memory_space<vmem>>
    %dma_start3A_20 = arith.constant 0 : i32
    %dma_start3A_21 = arith.constant 0 : i32
    %dma_start3A_22 = tpu.memref_slice %arg2[%dma_start3A_20, %dma_start3A_21] : memref<1024x256xf32, #tpu.memory_space<hbm>> -> memref<1024x256xf32, #tpu.memory_space<hbm>>
    tpu.enqueue_indirect_dma source(%dma_start3A_22 : memref<1024x256xf32, #tpu.memory_space<hbm>>) target(%arg8 : memref<128x256xf32, #tpu.memory_space<vmem>>) offsets(%dma_start3A_19 : memref<128xi32, #tpu.memory_space<vmem>>) semaphore(%arg11 : memref<!tpu.dma_semaphore, #tpu.memory_space<semaphore_mem>>)
    %dma_wait3A = arith.constant 0 : i32
    %dma_wait3A_23 = arith.constant 0 : i32
    %dma_wait3A_24 = tpu.memref_slice %arg5[%dma_wait3A, %dma_wait3A_23] : memref<4x128xi32, #tpu.memory_space<vmem>> -> memref<1x128xi32, #tpu.memory_space<vmem>>
    %dma_wait3A_25 = tpu.memref_squeeze %dma_wait3A_24 : memref<1x128xi32, #tpu.memory_space<vmem>> -> memref<128xi32, #tpu.memory_space<vmem>>
    %dma_wait3A_26 = arith.constant 0 : i32
    %dma_wait3A_27 = arith.constant 0 : i32
    %dma_wait3A_28 = tpu.memref_slice %arg2[%dma_wait3A_26, %dma_wait3A_27] : memref<1024x256xf32, #tpu.memory_space<hbm>> -> memref<1024x256xf32, #tpu.memory_space<hbm>>
    tpu.wait_indirect_dma semaphore(%arg9 : memref<!tpu.dma_semaphore, #tpu.memory_space<semaphore_mem>>) src(%dma_wait3A_28 : memref<1024x256xf32, #tpu.memory_space<hbm>>) dst(%arg6 : memref<128x256xf32, #tpu.memory_space<vmem>>)
    %add3A_29 = arith.constant 0 : i32
    %add3A_30 = arith.addi %mul3A_2, %add3A_29 : i32
    %mul3A_31 = arith.constant 128 : i32
    %mul3A_32 = arith.muli %add3A_30, %mul3A_31 : i32
    %dma_start3A_33 = arith.constant 0 : i32
    %dma_start3A_34 = tpu.memref_slice %arg4[%mul3A_32, %dma_start3A_33] : memref<16384x256xf32, #tpu.memory_space<hbm>> -> memref<128x256xf32, #tpu.memory_space<hbm>>
    %dma_start3A_35 = arith.constant 0 : i32
    %dma_start3A_36 = tpu.memref_slice %arg4[%mul3A_32, %dma_start3A_35] : memref<16384x256xf32, #tpu.memory_space<hbm>> -> memref<128x256xf32, #tpu.memory_space<hbm>>
    tpu.enqueue_dma source(%arg6 : memref<128x256xf32, #tpu.memory_space<vmem>>) target(%dma_start3A_36 : memref<128x256xf32, #tpu.memory_space<hbm>>) target_semaphore(%arg12 : memref<!tpu.dma_semaphore, #tpu.memory_space<semaphore_mem>>)
    %dma_wait3A_37 = arith.constant 0 : i32
    %dma_wait3A_38 = tpu.memref_slice %arg4[%mul3A_32, %dma_wait3A_37] : memref<16384x256xf32, #tpu.memory_space<hbm>> -> memref<128x256xf32, #tpu.memory_space<hbm>>
    %dma_wait3A_39 = arith.constant 0 : i32
    %dma_wait3A_40 = tpu.memref_slice %arg4[%mul3A_32, %dma_wait3A_39] : memref<16384x256xf32, #tpu.memory_space<hbm>> -> memref<128x256xf32, #tpu.memory_space<hbm>>
    tpu.wait_dma2 semaphore(%arg12 : memref<!tpu.dma_semaphore, #tpu.memory_space<semaphore_mem>>) src(%arg6 : memref<128x256xf32, #tpu.memory_space<vmem>>) dst(%dma_wait3A_40 : memref<128x256xf32, #tpu.memory_space<hbm>>)
    %dma_start3A_41 = arith.constant 3 : i32
    %dma_start3A_42 = arith.constant 0 : i32
    %dma_start3A_43 = tpu.memref_slice %arg5[%dma_start3A_41, %dma_start3A_42] : memref<4x128xi32, #tpu.memory_space<vmem>> -> memref<1x128xi32, #tpu.memory_space<vmem>>
    %dma_start3A_44 = tpu.memref_squeeze %dma_start3A_43 : memref<1x128xi32, #tpu.memory_space<vmem>> -> memref<128xi32, #tpu.memory_space<vmem>>
    %dma_start3A_45 = arith.constant 0 : i32
    %dma_start3A_46 = arith.constant 0 : i32
    %dma_start3A_47 = tpu.memref_slice %arg2[%dma_start3A_45, %dma_start3A_46] : memref<1024x256xf32, #tpu.memory_space<hbm>> -> memref<1024x256xf32, #tpu.memory_space<hbm>>
    tpu.enqueue_indirect_dma source(%dma_start3A_47 : memref<1024x256xf32, #tpu.memory_space<hbm>>) target(%arg6 : memref<128x256xf32, #tpu.memory_space<vmem>>) offsets(%dma_start3A_44 : memref<128xi32, #tpu.memory_space<vmem>>) semaphore(%arg9 : memref<!tpu.dma_semaphore, #tpu.memory_space<semaphore_mem>>)
    %dma_wait3A_48 = arith.constant 1 : i32
    %dma_wait3A_49 = arith.constant 0 : i32
    %dma_wait3A_50 = tpu.memref_slice %arg5[%dma_wait3A_48, %dma_wait3A_49] : memref<4x128xi32, #tpu.memory_space<vmem>> -> memref<1x128xi32, #tpu.memory_space<vmem>>
    %dma_wait3A_51 = tpu.memref_squeeze %dma_wait3A_50 : memref<1x128xi32, #tpu.memory_space<vmem>> -> memref<128xi32, #tpu.memory_space<vmem>>
    %dma_wait3A_52 = arith.constant 0 : i32
    %dma_wait3A_53 = arith.constant 0 : i32
    %dma_wait3A_54 = tpu.memref_slice %arg2[%dma_wait3A_52, %dma_wait3A_53] : memref<1024x256xf32, #tpu.memory_space<hbm>> -> memref<1024x256xf32, #tpu.memory_space<hbm>>
    tpu.wait_indirect_dma semaphore(%arg10 : memref<!tpu.dma_semaphore, #tpu.memory_space<semaphore_mem>>) src(%dma_wait3A_54 : memref<1024x256xf32, #tpu.memory_space<hbm>>) dst(%arg7 : memref<128x256xf32, #tpu.memory_space<vmem>>)
    %add3A_55 = arith.constant 1 : i32
    %add3A_56 = arith.addi %mul3A_2, %add3A_55 : i32
    %mul3A_57 = arith.constant 128 : i32
    %mul3A_58 = arith.muli %add3A_56, %mul3A_57 : i32
    %dma_start3A_59 = arith.constant 0 : i32
    %dma_start3A_60 = tpu.memref_slice %arg4[%mul3A_58, %dma_start3A_59] : memref<16384x256xf32, #tpu.memory_space<hbm>> -> memref<128x256xf32, #tpu.memory_space<hbm>>
    %dma_start3A_61 = arith.constant 0 : i32
    %dma_start3A_62 = tpu.memref_slice %arg4[%mul3A_58, %dma_start3A_61] : memref<16384x256xf32, #tpu.memory_space<hbm>> -> memref<128x256xf32, #tpu.memory_space<hbm>>
    tpu.enqueue_dma source(%arg7 : memref<128x256xf32, #tpu.memory_space<vmem>>) target(%dma_start3A_62 : memref<128x256xf32, #tpu.memory_space<hbm>>) target_semaphore(%arg13 : memref<!tpu.dma_semaphore, #tpu.memory_space<semaphore_mem>>)
    %dma_wait3A_63 = arith.constant 2 : i32
    %dma_wait3A_64 = arith.constant 0 : i32
    %dma_wait3A_65 = tpu.memref_slice %arg5[%dma_wait3A_63, %dma_wait3A_64] : memref<4x128xi32, #tpu.memory_space<vmem>> -> memref<1x128xi32, #tpu.memory_space<vmem>>
    %dma_wait3A_66 = tpu.memref_squeeze %dma_wait3A_65 : memref<1x128xi32, #tpu.memory_space<vmem>> -> memref<128xi32, #tpu.memory_space<vmem>>
    %dma_wait3A_67 = arith.constant 0 : i32
    %dma_wait3A_68 = arith.constant 0 : i32
    %dma_wait3A_69 = tpu.memref_slice %arg2[%dma_wait3A_67, %dma_wait3A_68] : memref<1024x256xf32, #tpu.memory_space<hbm>> -> memref<1024x256xf32, #tpu.memory_space<hbm>>
    tpu.wait_indirect_dma semaphore(%arg11 : memref<!tpu.dma_semaphore, #tpu.memory_space<semaphore_mem>>) src(%dma_wait3A_69 : memref<1024x256xf32, #tpu.memory_space<hbm>>) dst(%arg8 : memref<128x256xf32, #tpu.memory_space<vmem>>)
    %add3A_70 = arith.constant 2 : i32
    %add3A_71 = arith.addi %mul3A_2, %add3A_70 : i32
    %mul3A_72 = arith.constant 128 : i32
    %mul3A_73 = arith.muli %add3A_71, %mul3A_72 : i32
    %dma_start3A_74 = arith.constant 0 : i32
    %dma_start3A_75 = tpu.memref_slice %arg4[%mul3A_73, %dma_start3A_74] : memref<16384x256xf32, #tpu.memory_space<hbm>> -> memref<128x256xf32, #tpu.memory_space<hbm>>
    %dma_start3A_76 = arith.constant 0 : i32
    %dma_start3A_77 = tpu.memref_slice %arg4[%mul3A_73, %dma_start3A_76] : memref<16384x256xf32, #tpu.memory_space<hbm>> -> memref<128x256xf32, #tpu.memory_space<hbm>>
    tpu.enqueue_dma source(%arg8 : memref<128x256xf32, #tpu.memory_space<vmem>>) target(%dma_start3A_77 : memref<128x256xf32, #tpu.memory_space<hbm>>) target_semaphore(%arg14 : memref<!tpu.dma_semaphore, #tpu.memory_space<semaphore_mem>>)
    %dma_wait3A_78 = arith.constant 3 : i32
    %dma_wait3A_79 = arith.constant 0 : i32
    %dma_wait3A_80 = tpu.memref_slice %arg5[%dma_wait3A_78, %dma_wait3A_79] : memref<4x128xi32, #tpu.memory_space<vmem>> -> memref<1x128xi32, #tpu.memory_space<vmem>>
    %dma_wait3A_81 = tpu.memref_squeeze %dma_wait3A_80 : memref<1x128xi32, #tpu.memory_space<vmem>> -> memref<128xi32, #tpu.memory_space<vmem>>
    %dma_wait3A_82 = arith.constant 0 : i32
    %dma_wait3A_83 = arith.constant 0 : i32
    %dma_wait3A_84 = tpu.memref_slice %arg2[%dma_wait3A_82, %dma_wait3A_83] : memref<1024x256xf32, #tpu.memory_space<hbm>> -> memref<1024x256xf32, #tpu.memory_space<hbm>>
    tpu.wait_indirect_dma semaphore(%arg9 : memref<!tpu.dma_semaphore, #tpu.memory_space<semaphore_mem>>) src(%dma_wait3A_84 : memref<1024x256xf32, #tpu.memory_space<hbm>>) dst(%arg6 : memref<128x256xf32, #tpu.memory_space<vmem>>)
    %add3A_85 = arith.constant 3 : i32
    %add3A_86 = arith.addi %mul3A_2, %add3A_85 : i32
    %mul3A_87 = arith.constant 128 : i32
    %mul3A_88 = arith.muli %add3A_86, %mul3A_87 : i32
    %dma_start3A_89 = arith.constant 0 : i32
    %dma_start3A_90 = tpu.memref_slice %arg4[%mul3A_88, %dma_start3A_89] : memref<16384x256xf32, #tpu.memory_space<hbm>> -> memref<128x256xf32, #tpu.memory_space<hbm>>
    %dma_start3A_91 = arith.constant 0 : i32
    %dma_start3A_92 = tpu.memref_slice %arg4[%mul3A_88, %dma_start3A_91] : memref<16384x256xf32, #tpu.memory_space<hbm>> -> memref<128x256xf32, #tpu.memory_space<hbm>>
    tpu.enqueue_dma source(%arg6 : memref<128x256xf32, #tpu.memory_space<vmem>>) target(%dma_start3A_92 : memref<128x256xf32, #tpu.memory_space<hbm>>) target_semaphore(%arg12 : memref<!tpu.dma_semaphore, #tpu.memory_space<semaphore_mem>>)
    %dma_wait3A_93 = arith.constant 0 : i32
    %dma_wait3A_94 = tpu.memref_slice %arg4[%mul3A_58, %dma_wait3A_93] : memref<16384x256xf32, #tpu.memory_space<hbm>> -> memref<128x256xf32, #tpu.memory_space<hbm>>
    %dma_wait3A_95 = arith.constant 0 : i32
    %dma_wait3A_96 = tpu.memref_slice %arg4[%mul3A_58, %dma_wait3A_95] : memref<16384x256xf32, #tpu.memory_space<hbm>> -> memref<128x256xf32, #tpu.memory_space<hbm>>
    tpu.wait_dma2 semaphore(%arg13 : memref<!tpu.dma_semaphore, #tpu.memory_space<semaphore_mem>>) src(%arg7 : memref<128x256xf32, #tpu.memory_space<vmem>>) dst(%dma_wait3A_96 : memref<128x256xf32, #tpu.memory_space<hbm>>)
    %dma_wait3A_97 = arith.constant 0 : i32
    %dma_wait3A_98 = tpu.memref_slice %arg4[%mul3A_73, %dma_wait3A_97] : memref<16384x256xf32, #tpu.memory_space<hbm>> -> memref<128x256xf32, #tpu.memory_space<hbm>>
    %dma_wait3A_99 = arith.constant 0 : i32
    %dma_wait3A_100 = tpu.memref_slice %arg4[%mul3A_73, %dma_wait3A_99] : memref<16384x256xf32, #tpu.memory_space<hbm>> -> memref<128x256xf32, #tpu.memory_space<hbm>>
    tpu.wait_dma2 semaphore(%arg14 : memref<!tpu.dma_semaphore, #tpu.memory_space<semaphore_mem>>) src(%arg8 : memref<128x256xf32, #tpu.memory_space<vmem>>) dst(%dma_wait3A_100 : memref<128x256xf32, #tpu.memory_space<hbm>>)
    %dma_wait3A_101 = arith.constant 0 : i32
    %dma_wait3A_102 = tpu.memref_slice %arg4[%mul3A_88, %dma_wait3A_101] : memref<16384x256xf32, #tpu.memory_space<hbm>> -> memref<128x256xf32, #tpu.memory_space<hbm>>
    %dma_wait3A_103 = arith.constant 0 : i32
    %dma_wait3A_104 = tpu.memref_slice %arg4[%mul3A_88, %dma_wait3A_103] : memref<16384x256xf32, #tpu.memory_space<hbm>> -> memref<128x256xf32, #tpu.memory_space<hbm>>
    tpu.wait_dma2 semaphore(%arg12 : memref<!tpu.dma_semaphore, #tpu.memory_space<semaphore_mem>>) src(%arg6 : memref<128x256xf32, #tpu.memory_space<vmem>>) dst(%dma_wait3A_104 : memref<128x256xf32, #tpu.memory_space<hbm>>)
    return
  }
}

module attributes {stable_mosaic.version = 14 : i64} {
  func.func @body(%arg0: i32, %arg1: memref<1x256x1024xf32, #tpu.memory_space<vmem>>, %arg2: memref<256x1024xf32, #tpu.memory_space<vmem>>, %arg3: memref<1x1x1024xi32, #tpu.memory_space<vmem>>, %arg4: memref<1x1xf32, #tpu.memory_space<smem>>, %arg5: memref<8x128xf32, #tpu.memory_space<vmem>>) attributes {dimension_semantics = [#tpu.dimension_semantics<arbitrary>], iteration_bounds = array<i64: 16>, scalar_prefetch = 0 : i64, scratch_operands = 1 : i64, tpu.core_type = #tpu.core_type<tc>, window_params = [{transform_indices = @transform_0, window_bounds = array<i64: 1, 256, 1024>}, {pipeline_mode = #tpu.pipeline_mode<synchronous>, transform_indices = @transform_1, window_bounds = array<i64: 256, 1024>}, {transform_indices = @transform_2, window_bounds = array<i64: 1, 1, 1024>}, {transform_indices = @transform_3, window_bounds = array<i64: 1, 1>}]} {
    %get3A = arith.constant 0 : index
    %get3A_0 = arith.constant 0 : index
    %get3A_1 = arith.constant 0 : index
    %get3A_2 = vector.load %arg1[%get3A, %get3A_0, %get3A_1] : memref<1x256x1024xf32, #tpu.memory_space<vmem>>, vector<1x256x1024xf32>
    %get3A_3 = vector.shape_cast %get3A_2 : vector<1x256x1024xf32> to vector<256x1024xf32>
    %get3A_4 = arith.constant 0 : index
    %get3A_5 = arith.constant 0 : index
    %get3A_6 = vector.load %arg2[%get3A_4, %get3A_5] : memref<256x1024xf32, #tpu.memory_space<vmem>>, vector<256x1024xf32>
    %mul3A = arith.mulf %get3A_3, %get3A_3 : vector<256x1024xf32>
    %reduce_sum3A = arith.constant dense<0.000000e+00> : vector<1024xf32>
    %reduce_sum3A_7 = vector.multi_reduction <add>, %mul3A, %reduce_sum3A [0] : vector<256x1024xf32> to vector<1024xf32>
    %mul3A_8 = arith.mulf %get3A_6, %get3A_6 : vector<256x1024xf32>
    %reduce_sum3A_9 = arith.constant dense<0.000000e+00> : vector<1024xf32>
    %reduce_sum3A_10 = vector.multi_reduction <add>, %mul3A_8, %reduce_sum3A_9 [0] : vector<256x1024xf32> to vector<1024xf32>
    %mul3A_11 = arith.constant -2.000000e+00 : f32
    %mul3A_12 = vector.broadcast %mul3A_11 : f32 to vector<256x1024xf32>
    %mul3A_13 = arith.mulf %get3A_6, %mul3A_12 : vector<256x1024xf32>
    %dot_general3A = arith.constant dense<0.000000e+00> : vector<1024x1024xf32>
    %dot_general3A_14 = tpu.matmul %mul3A_13, %get3A_3, %dot_general3A {dimension_numbers = #tpu.dot_dimension_numbers<[0], [0], [1], [1], [0, 1, 1, 1], [], []>, transpose_lhs_hint = false} : vector<256x1024xf32>, vector<256x1024xf32>, vector<1024x1024xf32> -> vector<1024x1024xf32>
    %broadcast_in_dim3A = vector.shape_cast %reduce_sum3A_7 : vector<1024xf32> to vector<1x1024xf32>
    %add3A = vector.broadcast %broadcast_in_dim3A : vector<1x1024xf32> to vector<1024x1024xf32>
    %add3A_15 = arith.addf %add3A, %dot_general3A_14 : vector<1024x1024xf32>
    %broadcast_in_dim3A_16 = vector.shape_cast %reduce_sum3A_10 : vector<1024xf32> to vector<1024x1xf32>
    %add3A_17 = vector.broadcast %broadcast_in_dim3A_16 : vector<1024x1xf32> to vector<1024x1024xf32>
    %add3A_18 = arith.addf %add3A_15, %add3A_17 : vector<1024x1024xf32>
    %reduce_min3A = arith.constant dense<0x7F800000> : vector<1024xf32>
    %reduce_min3A_19 = vector.multi_reduction <minimumf>, %add3A_18, %reduce_min3A [0] : vector<1024x1024xf32> to vector<1024xf32>
    %argmin3A = tpu.reduce_index %add3A_18 {axis = 0 : i32, kind = #tpu.reduction_kind<arg_min>} : vector<1024x1024xf32> -> vector<1024xi32>
    %swap3A = arith.constant 0 : index
    %swap3A_20 = arith.constant 0 : index
    %swap3A_21 = arith.constant 0 : index
    %swap3A_22 = vector.load %arg3[%swap3A, %swap3A_20, %swap3A_21] : memref<1x1x1024xi32, #tpu.memory_space<vmem>>, vector<1x1x1024xi32>
    %swap3A_23 = vector.shape_cast %swap3A_22 : vector<1x1x1024xi32> to vector<1024xi32>
    %swap3A_24 = vector.shape_cast %argmin3A : vector<1024xi32> to vector<1x1x1024xi32>
    tpu.vector_store %arg3[%swap3A, %swap3A_20, %swap3A_21], %swap3A_24 {strides = array<i32>} : memref<1x1x1024xi32, #tpu.memory_space<vmem>>, vector<1x1x1024xi32>,
    %eq3A = arith.constant 0 : i32
    %eq3A_25 = arith.cmpi eq, %arg0, %eq3A : i32
    %convert_element_type3A = arith.extui %eq3A_25 : i1 to i32
    %cond3A = arith.constant 0 : i32
    %cond3A_26 = arith.cmpi ne, %convert_element_type3A, %cond3A : i32
    scf.if %cond3A_26 {
      %broadcast_in_dim3A_39 = arith.constant 0.000000e+00 : f32
      %broadcast_in_dim3A_40 = vector.broadcast %broadcast_in_dim3A_39 : f32 to vector<8x128xf32>
      %swap3A_41 = arith.constant 0 : index
      %swap3A_42 = arith.constant 0 : index
      %swap3A_43 = vector.load %arg5[%swap3A_41, %swap3A_42] : memref<8x128xf32, #tpu.memory_space<vmem>>, vector<8x128xf32>
      tpu.vector_store %arg5[%swap3A_41, %swap3A_42], %broadcast_in_dim3A_40 {strides = array<i32>} : memref<8x128xf32, #tpu.memory_space<vmem>>, vector<8x128xf32>,
    } else {
    }
    %get3A_27 = arith.constant 0 : index
    %get3A_28 = arith.constant 0 : index
    %get3A_29 = vector.load %arg5[%get3A_27, %get3A_28] : memref<8x128xf32, #tpu.memory_space<vmem>>, vector<8x128xf32>
    %reshape3A = vector.shape_cast %reduce_min3A_19 : vector<1024xf32> to vector<8x128xf32>
    %add3A_30 = arith.addf %get3A_29, %reshape3A : vector<8x128xf32>
    %swap3A_31 = arith.constant 0 : index
    %swap3A_32 = arith.constant 0 : index
    %swap3A_33 = vector.load %arg5[%swap3A_31, %swap3A_32] : memref<8x128xf32, #tpu.memory_space<vmem>>, vector<8x128xf32>
    tpu.vector_store %arg5[%swap3A_31, %swap3A_32], %add3A_30 {strides = array<i32>} : memref<8x128xf32, #tpu.memory_space<vmem>>, vector<8x128xf32>,
    %eq3A_34 = arith.constant 15 : i32
    %eq3A_35 = arith.cmpi eq, %arg0, %eq3A_34 : i32
    %convert_element_type3A_36 = arith.extui %eq3A_35 : i1 to i32
    %cond3A_37 = arith.constant 0 : i32
    %cond3A_38 = arith.cmpi ne, %convert_element_type3A_36, %cond3A_37 : i32
    scf.if %cond3A_38 {
      %get3A_39 = arith.constant 0 : index
      %get3A_40 = arith.constant 0 : index
      %get3A_41 = vector.load %arg5[%get3A_39, %get3A_40] : memref<8x128xf32, #tpu.memory_space<vmem>>, vector<8x128xf32>
      %reduce_sum3A_42 = vector.shape_cast %get3A_41 : vector<8x128xf32> to vector<1x8x128xf32>
      %reduce_sum3A_43 = arith.constant dense<0.000000e+00> : vector<1xf32>
      %reduce_sum3A_44 = vector.multi_reduction <add>, %reduce_sum3A_42, %reduce_sum3A_43 [1, 2] : vector<1x8x128xf32> to vector<1xf32>
      %reduce_sum3A_45 = vector.shape_cast %reduce_sum3A_44 : vector<1xf32> to vector<1x1x1xf32>
      %reduce_sum3A_46 = vector.extract %reduce_sum3A_45[0, 0, 0] : f32 from vector<1x1x1xf32>
      %mul3A_47 = arith.constant 2.38418579E-7 : f32
      %mul3A_48 = arith.mulf %reduce_sum3A_46, %mul3A_47 : f32
      %swap3A_49 = arith.constant 0 : index
      %swap3A_50 = arith.constant 0 : index
      %swap3A_51 = memref.load %arg4[%swap3A_49, %swap3A_50] : memref<1x1xf32, #tpu.memory_space<smem>>
      memref.store %mul3A_48, %arg4[%swap3A_49, %swap3A_50] : memref<1x1xf32, #tpu.memory_space<smem>>
    } else {
    }
    return
  }
  func.func @transform_0(%arg0: i32) -> (i32, i32, i32) {
    %c0_i32 = arith.constant 0 : i32
    %c0_i32_0 = arith.constant 0 : i32
    %c0_i32_1 = arith.constant 0 : i32
    return %arg0, %c0_i32, %c0_i32_0 : i32, i32, i32
  }
  func.func @transform_1(%arg0: i32) -> (i32, i32) {
    %c0_i32 = arith.constant 0 : i32
    %c0_i32_0 = arith.constant 0 : i32
    %c0_i32_1 = arith.constant 0 : i32
    return %c0_i32, %c0_i32_0 : i32, i32
  }
  func.func @transform_2(%arg0: i32) -> (i32, i32, i32) {
    %c0_i32 = arith.constant 0 : i32
    %c0_i32_0 = arith.constant 0 : i32
    %c0_i32_1 = arith.constant 0 : i32
    return %arg0, %c0_i32, %c0_i32_0 : i32, i32, i32
  }
  func.func @transform_3(%arg0: i32) -> (i32, i32) {
    %c0_i32 = arith.constant 0 : i32
    %c0_i32_0 = arith.constant 0 : i32
    %c0_i32_1 = arith.constant 0 : i32
    return %c0_i32, %c0_i32_0 : i32, i32
  }
}

</mosaic_0001>

<sc_bundles>
// kernel: kernel.4.cloned.1.call-start
scs
__scs_entry_jumppad:
0x0: {  	(pc) =	sbr.rel $0x88, $3  }
0x1: {  	(tag) =	ssettag $0x0;
	lr =	simm.s32 $0x1  }
0x2: {  	[smem:$0x3F9F] =	sst lr;
	_ =	strace $0xD0000000  }
0x3: {  	_ = 	snop  }
0x4: {  	_ = 	snop  }
0x5: {  	_ = 	snop  }
0x6: {  	_ = 	snop  }
0x7: {  	_ = 	snop  }
__scs_overlays_trampoline_lowered:
0x8: {  	[smem:$0x3FAE] =	sst s0  }
0x9: {  	[smem:$0x3FAF] =	sst s1  }
0xa: {  	[smem:$0x3FB0] =	sst s2  }
0xb: {  	[smem:$0x3FB1] =	sst s3  }
0xc: {  	[smem:$0x3FB2] =	sst s4  }
0xd: {  	[smem:$0x3FB3] =	sst s5  }
0xe: {  	[smem:$0x3FB4] =	sst s6  }
0xf: {  	[smem:$0x3FB5] =	sst s7  }
0x10: {  	[smem:$0x3FB6] =	sst s8  }
0x11: {  	[smem:$0x3FB7] =	sst s9;
	s0 =	simm.s32 @!p0 $0x0  }
0x12: {  	s1 =	sld [smem:$0x3F9D];
	s0 =	simm.s32 @p0 $0x1  }
0x13: {  	[smem:$0x3FB8] =	sst s0;
	s0 =	simm.s32 @!p1 $0x0  }
0x14: {  	s2 =	sld [smem:$0x3F9C];
	s0 =	simm.s32 @p1 $0x1  }
0x15: {  	[smem:$0x3FB9] =	sst s0;
	s0 =	simm.s32 @!p2 $0x0  }
0x16: {  	s3 =	sld [smem:$0x3FDB];
	s0 =	simm.s32 @p2 $0x1  }
0x17: {  	s4 =	simm.s32 $0x1BF5;
	[smem:$0x3FBB] =	sst s0  }
0x18: {  	s0 =	sld [smem:$0x3F9E];
	_ =	swait.ge [sflag:s4], $0x0  }
0x19: {  	s7 =	sld [smem:$0x3F9F]  }
0x1a: {  	s8 =	sadd.s32 $0xFFFFE003, lr  }
0x1b: {  	s9 =	sadd.s32 $0xFFFFFEF7, lr;
	s5 =	simm.s32 $0xFFFFFFFF;
	p2 =	slt.u32 s8, $0xFFFFF086  }
0x1c: {  	p1 =	slt.u32 s9, $0xF7A;
	s5 =	simm.s32 @!p2 $0x0  }
0x1d: {  	s5 =	simm.s32 @p1 $0x1;
	p0 =	seq.s32 s7, s2  }
0x1e: {  	s7 =	smul.u32 @!p0 $0xF7A, s2;
	p2 =	seq.s32 @!p0 s5, $0x0  }
0x1f: {  	s9 =	smul.u32 $0xF7A, s1;
	s8 =	simm.s32 @!p0 $0x1BF5;
	p2 =	por !p2, p0  }
0x20: {  	[sflag:s8] =	ssyncset.s32 @!p0 $0xFFFFF086;
	s6 =	sadd.s32 @!p0 s3, s7;
	s7 =	simm.s32 @!p0 $0x108  }
0x21: {  	s3 =	sadd.s32 s3, s9;
	s6 =	sadd.s32 @!p0 $0x88, s6;
	s7 =	simm.s32 @p2 $0x1082  }
0x22: {  	[simem:s7], [sflag:s8] =	dma.local @!p0 [hbm:s6], $0xF7A  }
0x23: {  	s9 =	sor.u32 $0xD0000000, s2;
	s6 =	simm.s32 $0x108;
	_ =	swait.ge @!p0 [sflag:s8], $0x0  }
0x24: {  	s3 =	sadd.s32 $0x88, s3;
	s6 =	simm.s32 @!p1 $0x1082;
	[sflag:s4] =	ssyncset.s32 $0xFFFFF086  }
0x25: {  	[simem:s6], [sflag:s4] =	dma.local [hbm:s3], $0xF7A  }
0x26: {  	[smem:$0x3F9F] =	sst s1;
	(tag) =	ssettag s2;
	_ =	strace s9  }
0x27: {  	s1 =	sld [smem:$0x3FAF]  }
0x28: {  	s2 =	sld [smem:$0x3FB0]  }
0x29: {  	s4 =	sld [smem:$0x3FB2]  }
0x2a: {  	p0 =	seq.s32 s5, $0x0;
	s5 =	sld [smem:$0x3FB3]  }
0x2b: {  	s6 =	sld [smem:$0x3FB4]  }
0x2c: {  	s7 =	sld [smem:$0x3FB5]  }
0x2d: {  	s3 =	simm.s32 $0x108;
	s8 =	sld [smem:$0x3FB6]  }
0x2e: {  	s3 =	simm.s32 @!p0 $0x1082;
	s9 =	sld [smem:$0x3FB7]  }
0x2f: {  	lr =	sadd.s32 s0, s3;
	s0 =	sld [smem:$0x3FAE]  }
0x30: {  	s3 =	sld [smem:$0x3FB1]  }
0x31: {  	[smem:$0x3FBA] =	sst s10  }
0x32: {  	s10 =	sld [smem:$0x3FB8];
	_ =	sdelay $0x3  }
0x33: {  	p0 =	seq.s32 s10, $0x1;
	s10 =	sld [smem:$0x3FBA];
	_ =	sdelay $0x3  }
0x34: {  	[smem:$0x3FBA] =	sst s10  }
0x35: {  	s10 =	sld [smem:$0x3FB9];
	_ =	sdelay $0x3  }
0x36: {  	p1 =	seq.s32 s10, $0x1;
	s10 =	sld [smem:$0x3FBA];
	_ =	sdelay $0x3  }
0x37: {  	[smem:$0x3FBA] =	sst s10  }
0x38: {  	s10 =	sld [smem:$0x3FBB]  }
0x39: {  	_ = 	snop;
	(pc) =	sbr.ind lr, $3  }
0x3a: {  	_ = 	snop  }
0x3b: {  	_ = 	snop  }
0x3c: {  	p2 =	seq.s32 s10, $0x1;
	s10 =	sld [smem:$0x3FBA]  }
0x3d: {  	_ =	shalt  }
0x3e: {  	_ =	shalt  }
0x3f: {  	_ =	shalt  }
0x40: {  	_ =	shalt  }
0x41: {  	_ =	shalt  }
0x42: {  	_ =	shalt  }
0x43: {  	_ =	shalt  }
0x44: {  	_ =	shalt  }
0x45: {  	_ =	shalt  }
0x46: {  	_ =	shalt  }
0x47: {  	_ =	shalt  }
0x48: {  	_ =	shalt  }
0x49: {  	_ =	shalt  }
0x4a: {  	_ =	shalt  }
0x4b: {  	_ =	shalt  }
0x4c: {  	_ =	shalt  }
0x4d: {  	_ =	shalt  }
0x4e: {  	_ =	shalt  }
0x4f: {  	_ =	shalt  }
0x50: {  	_ =	shalt  }
0x51: {  	_ =	shalt  }
0x52: {  	_ =	shalt  }
0x53: {  	_ =	shalt  }
0x54: {  	_ =	shalt  }
0x55: {  	_ =	shalt  }
0x56: {  	_ =	shalt  }
0x57: {  	_ =	shalt  }
0x58: {  	_ =	shalt  }
0x59: {  	_ =	shalt  }
0x5a: {  	_ =	shalt  }
0x5b: {  	_ =	shalt  }
0x5c: {  	_ =	shalt  }
0x5d: {  	_ =	shalt  }
0x5e: {  	_ =	shalt  }
0x5f: {  	_ =	shalt  }
0x60: {  	_ =	shalt  }
0x61: {  	_ =	shalt  }
0x62: {  	_ =	shalt  }
0x63: {  	_ =	shalt  }
0x64: {  	_ =	shalt  }
0x65: {  	_ =	shalt  }
0x66: {  	_ =	shalt  }
0x67: {  	_ =	shalt  }
0x68: {  	_ =	shalt  }
0x69: {  	_ =	shalt  }
0x6a: {  	_ =	shalt  }
0x6b: {  	_ =	shalt  }
0x6c: {  	_ =	shalt  }
0x6d: {  	_ =	shalt  }
0x6e: {  	_ =	shalt  }
0x6f: {  	_ =	shalt  }
0x70: {  	_ =	shalt  }
0x71: {  	_ =	shalt  }
0x72: {  	_ =	shalt  }
0x73: {  	_ =	shalt  }
0x74: {  	_ =	shalt  }
0x75: {  	_ =	shalt  }
0x76: {  	_ =	shalt  }
0x77: {  	_ =	shalt  }
0x78: {  	_ =	shalt  }
0x79: {  	_ =	shalt  }
0x7a: {  	_ =	shalt  }
0x7b: {  	_ =	shalt  }
0x7c: {  	_ =	shalt  }
0x7d: {  	_ =	shalt  }
0x7e: {  	_ =	shalt  }
0x7f: {  	_ =	shalt  }
0x80: {  	_ =	shalt  }
0x81: {  	_ =	shalt  }
0x82: {  	_ =	shalt  }
0x83: {  	_ =	shalt  }
0x84: {  	_ =	shalt  }
0x85: {  	_ =	shalt  }
0x86: {  	_ =	shalt  }
0x87: {  	_ =	shalt  }
.Lfunc_end0:
.L_simem_size_0:
called_computation_lowered:
.L_overlay_start_0:
0x88: {  	s2 =	sld [smem:$0x3FD9]  }
0x89: {  	s3 =	sld [smem:$0x3FFE];
	_ =	sdelay $0x1  }
0x8a: {  	s1 =	srdreg.scid  }
0x8b: {  	s0 =	sand.u32 $0x1, s1  }
0x8c: {  	s14 =	sshll.u32 s0, $0xA;
	s2 =	sadd.s32 s3, s2  }
0x8d: {  	s2 =	sadd.s32 s2, s14  }
0x8e: {  	[smem:$0x3FC6] =	sst s2  }
0x8f: {  	_ = 	snop  }
0x90: {  	s2 =	sld [smem:$0x3FD0];
	_ =	sdelay $0x2  }
0x91: {  	s15 =	simm.s32 $0xA;
	s4 =	simm.s32 $0x10  }
0x92: {  	[smem:s4], [sflag:s15] =	dma.local [hbm:s2], $0x1  }
0x93: {  	_ =	swait.eq [sflag:s15], $0x1  }
0x94: {  	[sflag:s15] =	ssyncset.done $0x0  }
0x95: {  	[sflag:s15] =	ssyncadd.s32 $0xFFFFFFFF  }
0x96: {  	s16 =	sld [smem:$0x10];
	(tm) =	ssettm $0x1  }
0x97: {  	s17 =	sld [smem:$0x3FFB];
	_ =	sdelay $0x3  }
0x98: {  	_ =	strace s17  }
0x99: {  	s3 =	sld [smem:$0x3FFC];
	_ =	sdelay $0x3  }
0x9a: {  	_ =	strace s3  }
0x9b: {  	s3 =	sld [smem:$0x3FFD];
	_ =	sdelay $0x3  }
0x9c: {  	_ =	strace s3  }
0x9d: {  	_ =	strace $0x8FFFFFFF  }
0x9e: {  	s18 =	sld [smem:$0x3FDB];
	_ =	sdelay $0x1  }
0x9f: {  	s19 =	simm.s32 $_scs_section_size  }
0xa0: {  	s5 =	simm.s32 $_size__tile_overlayer_lowered;
	s6 =	simm.s32 $_tile_overlayer_lowered  }
0xa1: {  	s22 =	simm.s32 $0x1BFF;
	s21 =	sshll.u32 s6, $0x1;
	s3 =	sadd.s32 s19, s18  }
0xa2: {  	s7 =	simm.s32 $0x0;
	s20 =	sshll.u32 s5, $0x1;
	s5 =	sadd.s32 s21, s3  }
0xa3: {  	[timem:s7], [sflag:s22] =	dma.local [hbm:s5], s20  }
0xa4: {  	_ =	swait.ge [sflag:s22], s20  }
0xa5: {  	s4 =	ssub.s32 $0x0, s20;
	[sflag:s22] =	ssyncset.done $0x0  }
0xa6: {  	[sflag:s22] =	ssyncadd.s32 s4;
	_ =	sdelay $0x1  }
0xa7: {  	s23 =	simm.s32 $0x1B8B  }
0xa8: {  	_ =	swait.ge [sflag:s23], $0x1  }
0xa9: {  	[sflag:s23] =	ssyncset.done $0x0  }
0xaa: {  	s25 =	simm.s32 $0x1B8E;
	s24 =	sld [smem:$0x3FFE];
	[sflag:s23] =	ssyncadd.s32 $0xFFFFFFFF  }
0xab: {  	s26 =	simm.s32 $execute0_lowered;
	[smem:$0x3FD2] =	sst s25  }
0xac: {  	s5 =	sshll.u32 s26, $0x1;
	_ =	strace $0x80000046;
	[dreg:$0x1] =	wrdreg $0xFFFFFFFF  }
0xad: {  	s28 =	simm.s32 $_size_execute0_lowered;
	s3 =	sadd.s32 s3, s5;
	[dreg:$0x0] =	wrdreg $0x0  }
0xae: {  	s5 =	sshll.u32 s28, $0x1;
	[dreg:$0x2] =	wrdreg s3  }
0xaf: {  	[dreg:$0x3] =	wrdreg s5  }
0xb0: {  	[dreg:$0x4] =	wrdreg $0xC0  }
0xb1: {  	_ =	task [dreg:s7], $0x5FFFF  }
0xb2: {  	[dreg:$0x1] =	wrdreg $0xFFFFFFFF  }
0xb3: {  	[dreg:$0x0] =	wrdreg $0x60  }
0xb4: {  	[dreg:$0x2] =	wrdreg s24  }
0xb5: {  	[dreg:$0x3] =	wrdreg s16  }
0xb6: {  	[dreg:$0x4] =	wrdreg $0x9  }
0xb7: {  	_ =	task.clear_ibuf [dreg:s7], $0x5FFFF;
	_ =	strace $0x90000046  }
0xb8: {  	s29 =	simm.s32 $0x9;
	_ =	strace $0x80000048  }
0xb9: {  	_ =	swait.ge [sflag:s29], $0x1  }
0xba: {  	[sflag:s29] =	ssyncadd.s32 $0xFFFFFFFF  }
0xbb: {  	_ =	strace $0x90000048  }
0xbc: {  	_ =	sfence  }
0xbd: {  	s30 =	sld [smem:$0x0];
	_ =	sdelay $0x2  }
0xbe: {  	s31 =	sshll.u32 s1, $0xD;
	s1 =	sshrl.u32 s1, $0x2  }
0xbf: {  	s3 =	sand.u32 $0x4000, s31;
	s1 =	sadd.s32 s1, s30  }
0xc0: {  	s0 =	sor.u32 s3, s0;
	s1 =	sshll.u32 s1, $0x11  }
0xc1: {  	s0 =	sor.u32 s1, s0  }
0xc2: {  	s0 =	sadd.s32 $0x8F2B, s0  }
0xc3: {  	[sflag:s0] =	ssyncadd.remote.s32 $0x1  }
0xc4: {  	_ =	sfence.sel $0xFFFF  }
0xc5: {  	[dreg:$0x0] =	wrdreg $0xFFFFFFFF;
	(pc) =	sbr.abs _section_cstart, $3  }
0xc6: {  	[dreg:$0x1] =	wrdreg $0xFFFFFFFF  }
0xc7: {  	_ =	task.clear_ibuf [dreg:s7], $0x2FFFF;
	_ =	strace $0x9FFFFFFF  }
0xc8: {  	(tm) =	ssettm $0x7FFFFFFF  }
0xc9: {  	_ =	shalt  }
tec
execute0_lowered:
.L_overlay_start_1:
0x0: {  	(tag) =	ssettag $0x1  }
0x1: {  	s0 =	rddreg [dreg:$0x0]  }
0x2: {  	s1 =	srdreg.scid;
	s3 =	rddreg [dreg:$0x1];
	s2 =	simm.s32 $0x0  }
0x3: {  	s13 =	stileid.u32;
	s18 =	simm.s32 $0x8A00;
	[smem:$0x7FF] =	sst s2  }
0x4: {  	s19 =	simm.s32 $0x9200;
	_ =	strace $0x80000047;
	[dreg:$0x7] =	wrdreg s18  }
0x5: {  	s20 =	simm.s32 $0x9A00;
	s21 =	simm.s32 $0xA200;
	[dreg:$0x8] =	wrdreg s19  }
0x6: {  	s22 =	simm.s32 $0xAA00;
	s23 =	simm.s32 $0xB200;
	[dreg:$0x9] =	wrdreg s20  }
0x7: {  	s24 =	simm.s32 $0xBA00;
	s25 =	simm.s32 $0xC200;
	[dreg:$0xa] =	wrdreg s21  }
0x8: {  	s9 =	simm.s32 $0xE200;
	s10 =	simm.s32 $0xEA00;
	[dreg:$0xb] =	wrdreg s22  }
0x9: {  	s11 =	simm.s32 $0xF200;
	s12 =	simm.s32 $0xFA00;
	[dreg:$0xc] =	wrdreg s23  }
0xa: {  	s28 =	simm.s32 $0x4;
	s29 =	simm.s32 $0x2;
	[dreg:$0xd] =	wrdreg s24  }
0xb: {  	s30 =	simm.s32 $0x3;
	s31 =	simm.s32 $0x5;
	[dreg:$0xe] =	wrdreg s25  }
0xc: {  	s5 =	sand.u32 $0x1, s1;
	s6 =	sshll.u32 s13, $0x7;
	[dreg:$0x12] =	wrdreg s9  }
0xd: {  	s7 =	sshll.u32 s13, $0xF;
	s13 =	simm.s32 $0x10A00;
	[dreg:$0x13] =	wrdreg s10  }
0xe: {  	s1 =	sshll.u32 s5, $0x6;
	s8 =	sshll.u32 s5, $0xE;
	[dreg:$0x14] =	wrdreg s11  }
0xf: {  	s5 =	ssub.s32 $0x2, s5;
	s9 =	simm.s32 $0x1200;
	[dreg:$0x15] =	wrdreg s12  }
0x10: {  	s10 =	simm.s32 $0x1A00;
	s11 =	simm.s32 $0x2200;
	[dreg:$0x16] =	wrdreg s13  }
0x11: {  	s12 =	simm.s32 $0x2A00;
	s13 =	simm.s32 $0x3200;
	s18 =	simm.s32 $0x13200  }
0x12: {  	s19 =	simm.s32 $0x13A00;
	s20 =	simm.s32 $0x14200;
	s21 =	simm.s32 $0x14A00  }
0x13: {  	s22 =	simm.s32 $0x15200;
	s23 =	simm.s32 $0x15A00;
	[dreg:$0x1b] =	wrdreg s18  }
0x14: {  	s24 =	simm.s32 $0x16200;
	s25 =	simm.s32 $0x16A00;
	[dreg:$0x1c] =	wrdreg s19  }
0x15: {  	s4 =	sadd.s32 s1, s0;
	s14 =	sor.u32 s8, s7;
	[dreg:$0x1d] =	wrdreg s20  }
0x16: {  	s26 =	sshrl.u32 s5, $0x1;
	s1 =	simm.s32 $0xCA00;
	[dreg:$0x1e] =	wrdreg s21  }
0x17: {  	s7 =	simm.s32 $0xD200;
	s8 =	simm.s32 $0xDA00;
	[dreg:$0x1f] =	wrdreg s22  }
0x18: {  	s18 =	simm.s32 $0x5A00;
	s19 =	simm.s32 $0x6200;
	[smem:$0x7FA] =	sst s23  }
0x19: {  	s20 =	simm.s32 $0x6A00;
	s21 =	simm.s32 $0x7200;
	[smem:$0x7FB] =	sst s24  }
0x1a: {  	s22 =	simm.s32 $0x7A00;
	s23 =	simm.s32 $0x8200;
	[smem:$0x7FC] =	sst s25  }
0x1b: {  	s24 =	simm.s32 $0x10200;
	s4 =	sadd.s32 s6, s4;
	[dreg:$0xf] =	wrdreg s1  }
0x1c: {  	s3 =	sadd.s32 s3, s14;
	s5 =	ssub.s32 s5, s26;
	[dreg:$0x10] =	wrdreg s7  }
0x1d: {  	s6 =	simm.s32 $0x7;
	[dreg:$0x11] =	wrdreg s8;
	s14 =	simm.s32 $0x11200  }
0x1e: {  	s7 =	simm.s32 $0x200;
	s26 =	simm.s32 $0x17200;
	[dreg:$0x17] =	wrdreg s14  }
0x1f: {  	s8 =	simm.s32 $0xA00;
	s4 =	sadd.s32 $0x8C00, s4;
	[smem:$0x7FD] =	sst s26  }
0x20: {  	s15 =	sadd.s32 $0x1000, s3;
	s16 =	sadd.s32 $0x2000, s3;
	[dreg:$0x3] =	wrdreg s4  }
0x21: {  	s17 =	sadd.s32 $0x3000, s3;
	s5 =	smax.u32 s5, $0x1;
	[dreg:$0x4] =	wrdreg s15  }
0x22: {  	s14 =	simm.s32 $0x3A00;
	s26 =	simm.s32 $0x1;
	[dreg:$0x5] =	wrdreg s16  }
0x23: {  	[dreg:$0x6] =	wrdreg s17;
	s4 =	sadd.s32 $0xC00, s0;
	s15 =	simm.s32 $0x11A00  }
0x24: {  	v2 =	vlaneseq.u32;
	s16 =	simm.s32 $0x12200;
	s17 =	simm.s32 $0x12A00;
	[dreg:$0x18] =	wrdreg s15  }
0x25: {  	vm0 =	vmmov $0xffff;
	v1 =	vshrl.u32 v2, $0x3;
	s0 =	simm.s32 $0x6;
	[dreg:$0x19] =	wrdreg s16;
	s15 =	simm.s32 $0x4200  }
0x26: {  	v0 =	vand.u32 $0x7, v2;
	v2 =	vor.u32 $0x8, v2;
	v1 =	vmul.u32 $0x8, v1;
	[dreg:$0x1a] =	wrdreg s17;
	s16 =	simm.s32 $0x4A00;
	s17 =	simm.s32 $0x5200  }
.LBB2_1:
0x27: {  	s1 =	rddreg [dreg:$0x3]  }
0x28: {  	[tilespmem:s2], [sflag:$0x7] =	stream.linear.gather [hbm4b:s1+s2], $0x200, $0x38;
	[tilespmem:$0x18200] =	vst v63  }
0x29: {  	_ =	swait.ge [sflag:s6], $0x200  }
0x2a: {  	[sflag:s6] =	ssyncset.done $0x0  }
0x2b: {  	[sflag:s6] =	ssyncadd.s32 $0xFFFFFE00  }
0x2c: {  	v3 =	vld [tilespmem:$0x0];
	_ =	sdelay $0x4  }
0x2d: {  	v4 =	vshll.u32 v3, $0x1  }
0x2e: {  	v3 =	vand.u32 $0x7, v3;
	v4 =	vand.u32 $0xFFFFFFF0, v4  }
0x2f: {  	v3 =	vor.u32 v3, v4  }
0x30: {  	v4 =	vperm.xlane v3, v0;
	_ =	sdelay $0x1  }
0x31: {  	v3 =	vperm.xlane v3, v2;
	v4 =	vadd.s32 v1, v4;
	_ =	sdelay $0x1  }
0x32: {  	v3 =	vadd.s32 v1, v3;
	_ =	sdelay $0x2  }
0x33: {  	[tilespmem:s7], [sflag:$0x1] =	stream.indirect_vreg.gather [hbm4b:s4+s2], $0x80, v4, vm0, $0xb8;
	[tilespmem:$0x18200] =	vst v63  }
0x34: {  	_ = 	snop  }
0x35: {  	[tilespmem:s8], [sflag:$0x1] =	stream.indirect_vreg.gather [hbm4b:s4+s2], $0x80, v3, vm0, $0xb8;
	[tilespmem:$0x18200] =	vst v63  }
0x36: {  	v3 =	vld [tilespmem:$0x10];
	_ =	sdelay $0x4  }
0x37: {  	v33 =	vshll.u32 v3, $0x1  }
0x38: {  	v3 =	vand.u32 $0x7, v3;
	v4 =	vand.u32 $0xFFFFFFF0, v33  }
0x39: {  	v3 =	vor.u32 v3, v4  }
0x3a: {  	v4 =	vperm.xlane v3, v0;
	_ =	sdelay $0x1  }
0x3b: {  	v3 =	vperm.xlane v3, v2;
	v4 =	vadd.s32 v1, v4;
	_ =	sdelay $0x1  }
0x3c: {  	v3 =	vadd.s32 v1, v3;
	_ =	sdelay $0x2  }
0x3d: {  	[tilespmem:s9], [sflag:$0x1] =	stream.indirect_vreg.gather [hbm4b:s4+s2], $0x80, v4, vm0, $0xb8;
	[tilespmem:$0x18200] =	vst v63  }
0x3e: {  	_ = 	snop  }
0x3f: {  	[tilespmem:s10], [sflag:$0x1] =	stream.indirect_vreg.gather [hbm4b:s4+s2], $0x80, v3, vm0, $0xb8;
	[tilespmem:$0x18200] =	vst v63  }
0x40: {  	v3 =	vld [tilespmem:$0x20];
	_ =	sdelay $0x4  }
0x41: {  	v34 =	vshll.u32 v3, $0x1  }
0x42: {  	v3 =	vand.u32 $0x7, v3;
	v4 =	vand.u32 $0xFFFFFFF0, v34  }
0x43: {  	v3 =	vor.u32 v3, v4  }
0x44: {  	v4 =	vperm.xlane v3, v0;
	_ =	sdelay $0x1  }
0x45: {  	v3 =	vperm.xlane v3, v2;
	v4 =	vadd.s32 v1, v4;
	_ =	sdelay $0x1  }
0x46: {  	v3 =	vadd.s32 v1, v3;
	_ =	sdelay $0x2  }
0x47: {  	[tilespmem:s11], [sflag:$0x1] =	stream.indirect_vreg.gather [hbm4b:s4+s2], $0x80, v4, vm0, $0xb8;
	[tilespmem:$0x18200] =	vst v63  }
0x48: {  	_ = 	snop  }
0x49: {  	[tilespmem:s12], [sflag:$0x1] =	stream.indirect_vreg.gather [hbm4b:s4+s2], $0x80, v3, vm0, $0xb8;
	[tilespmem:$0x18200] =	vst v63  }
0x4a: {  	v3 =	vld [tilespmem:$0x30];
	_ =	sdelay $0x4  }
0x4b: {  	v35 =	vshll.u32 v3, $0x1  }
0x4c: {  	v3 =	vand.u32 $0x7, v3;
	v4 =	vand.u32 $0xFFFFFFF0, v35  }
0x4d: {  	v3 =	vor.u32 v3, v4  }
0x4e: {  	v4 =	vperm.xlane v3, v0;
	_ =	sdelay $0x1  }
0x4f: {  	v3 =	vperm.xlane v3, v2;
	v4 =	vadd.s32 v1, v4;
	_ =	sdelay $0x1  }
0x50: {  	v3 =	vadd.s32 v1, v3;
	_ =	sdelay $0x2  }
0x51: {  	[tilespmem:s13], [sflag:$0x1] =	stream.indirect_vreg.gather [hbm4b:s4+s2], $0x80, v4, vm0, $0xb8;
	[tilespmem:$0x18200] =	vst v63  }
0x52: {  	_ = 	snop  }
0x53: {  	[tilespmem:s14], [sflag:$0x1] =	stream.indirect_vreg.gather [hbm4b:s4+s2], $0x80, v3, vm0, $0xb8;
	[tilespmem:$0x18200] =	vst v63  }
0x54: {  	v3 =	vld [tilespmem:$0x40];
	_ =	sdelay $0x4  }
0x55: {  	v36 =	vshll.u32 v3, $0x1  }
0x56: {  	v3 =	vand.u32 $0x7, v3;
	v4 =	vand.u32 $0xFFFFFFF0, v36  }
0x57: {  	v3 =	vor.u32 v3, v4  }
0x58: {  	v4 =	vperm.xlane v3, v0;
	_ =	sdelay $0x1  }
0x59: {  	v3 =	vperm.xlane v3, v2;
	v4 =	vadd.s32 v1, v4;
	_ =	sdelay $0x1  }
0x5a: {  	v3 =	vadd.s32 v1, v3;
	_ =	sdelay $0x2  }
0x5b: {  	[tilespmem:s15], [sflag:$0x1] =	stream.indirect_vreg.gather [hbm4b:s4+s2], $0x80, v4, vm0, $0xb8;
	[tilespmem:$0x18200] =	vst v63  }
0x5c: {  	_ = 	snop  }
0x5d: {  	[tilespmem:s16], [sflag:$0x1] =	stream.indirect_vreg.gather [hbm4b:s4+s2], $0x80, v3, vm0, $0xb8;
	[tilespmem:$0x18200] =	vst v63  }
0x5e: {  	v3 =	vld [tilespmem:$0x50];
	_ =	sdelay $0x4  }
0x5f: {  	v37 =	vshll.u32 v3, $0x1  }
0x60: {  	v3 =	vand.u32 $0x7, v3;
	v4 =	vand.u32 $0xFFFFFFF0, v37  }
0x61: {  	v3 =	vor.u32 v3, v4  }
0x62: {  	v4 =	vperm.xlane v3, v0;
	_ =	sdelay $0x1  }
0x63: {  	v3 =	vperm.xlane v3, v2;
	v4 =	vadd.s32 v1, v4;
	_ =	sdelay $0x1  }
0x64: {  	v3 =	vadd.s32 v1, v3;
	_ =	sdelay $0x2  }
0x65: {  	[tilespmem:s17], [sflag:$0x1] =	stream.indirect_vreg.gather [hbm4b:s4+s2], $0x80, v4, vm0, $0xb8;
	[tilespmem:$0x18200] =	vst v63  }
0x66: {  	_ = 	snop  }
0x67: {  	[tilespmem:s18], [sflag:$0x1] =	stream.indirect_vreg.gather [hbm4b:s4+s2], $0x80, v3, vm0, $0xb8;
	[tilespmem:$0x18200] =	vst v63  }
0x68: {  	v3 =	vld [tilespmem:$0x60];
	_ =	sdelay $0x4  }
0x69: {  	v38 =	vshll.u32 v3, $0x1  }
0x6a: {  	v3 =	vand.u32 $0x7, v3;
	v4 =	vand.u32 $0xFFFFFFF0, v38  }
0x6b: {  	v3 =	vor.u32 v3, v4  }
0x6c: {  	v4 =	vperm.xlane v3, v0;
	_ =	sdelay $0x1  }
0x6d: {  	v3 =	vperm.xlane v3, v2;
	v4 =	vadd.s32 v1, v4;
	_ =	sdelay $0x1  }
0x6e: {  	v3 =	vadd.s32 v1, v3;
	_ =	sdelay $0x2  }
0x6f: {  	[tilespmem:s19], [sflag:$0x1] =	stream.indirect_vreg.gather [hbm4b:s4+s2], $0x80, v4, vm0, $0xb8;
	[tilespmem:$0x18200] =	vst v63  }
0x70: {  	_ = 	snop  }
0x71: {  	[tilespmem:s20], [sflag:$0x1] =	stream.indirect_vreg.gather [hbm4b:s4+s2], $0x80, v3, vm0, $0xb8;
	[tilespmem:$0x18200] =	vst v63  }
0x72: {  	v3 =	vld [tilespmem:$0x70];
	_ =	sdelay $0x4  }
0x73: {  	v39 =	vshll.u32 v3, $0x1  }
0x74: {  	v3 =	vand.u32 $0x7, v3;
	v4 =	vand.u32 $0xFFFFFFF0, v39  }
0x75: {  	v3 =	vor.u32 v3, v4  }
0x76: {  	v4 =	vperm.xlane v3, v0;
	_ =	sdelay $0x1  }
0x77: {  	v3 =	vperm.xlane v3, v2;
	v4 =	vadd.s32 v1, v4;
	_ =	sdelay $0x1  }
0x78: {  	v3 =	vadd.s32 v1, v3;
	_ =	sdelay $0x2  }
0x79: {  	[tilespmem:s21], [sflag:$0x1] =	stream.indirect_vreg.gather [hbm4b:s4+s2], $0x80, v4, vm0, $0xb8;
	[tilespmem:$0x18200] =	vst v63  }
0x7a: {  	_ = 	snop  }
0x7b: {  	[tilespmem:s22], [sflag:$0x1] =	stream.indirect_vreg.gather [hbm4b:s4+s2], $0x80, v3, vm0, $0xb8;
	[tilespmem:$0x18200] =	vst v63  }
0x7c: {  	v3 =	vld [tilespmem:$0x80];
	_ =	sdelay $0x4  }
0x7d: {  	v40 =	vshll.u32 v3, $0x1  }
0x7e: {  	v3 =	vand.u32 $0x7, v3;
	v4 =	vand.u32 $0xFFFFFFF0, v40  }
0x7f: {  	v3 =	vor.u32 v3, v4  }
0x80: {  	v4 =	vperm.xlane v3, v0;
	_ =	sdelay $0x1  }
0x81: {  	v3 =	vperm.xlane v3, v2;
	v4 =	vadd.s32 v1, v4;
	_ =	sdelay $0x1  }
0x82: {  	v3 =	vadd.s32 v1, v3;
	_ =	sdelay $0x2  }
0x83: {  	[tilespmem:s23], [sflag:$0x2] =	stream.indirect_vreg.gather [hbm4b:s4+s2], $0x80, v4, vm0, $0xb8;
	[tilespmem:$0x18200] =	vst v63  }
0x84: {  	s25 =	rddreg [dreg:$0x7]  }
0x85: {  	[tilespmem:s25], [sflag:$0x2] =	stream.indirect_vreg.gather [hbm4b:s4+s2], $0x80, v3, vm0, $0xb8;
	[tilespmem:$0x18200] =	vst v63  }
0x86: {  	v3 =	vld [tilespmem:$0x90];
	_ =	sdelay $0x4  }
0x87: {  	v41 =	vshll.u32 v3, $0x1  }
0x88: {  	v3 =	vand.u32 $0x7, v3;
	v4 =	vand.u32 $0xFFFFFFF0, v41  }
0x89: {  	v3 =	vor.u32 v3, v4  }
0x8a: {  	v4 =	vperm.xlane v3, v0;
	_ =	sdelay $0x1  }
0x8b: {  	v3 =	vperm.xlane v3, v2;
	v4 =	vadd.s32 v1, v4;
	_ =	sdelay $0x1  }
0x8c: {  	v3 =	vadd.s32 v1, v3;
	_ =	sdelay $0x1  }
0x8d: {  	s1 =	rddreg [dreg:$0x8]  }
0x8e: {  	[tilespmem:s1], [sflag:$0x2] =	stream.indirect_vreg.gather [hbm4b:s4+s2], $0x80, v4, vm0, $0xb8;
	[tilespmem:$0x18200] =	vst v63  }
0x8f: {  	s25 =	rddreg [dreg:$0x9]  }
0x90: {  	[tilespmem:s25], [sflag:$0x2] =	stream.indirect_vreg.gather [hbm4b:s4+s2], $0x80, v3, vm0, $0xb8;
	[tilespmem:$0x18200] =	vst v63  }
0x91: {  	v3 =	vld [tilespmem:$0xA0];
	_ =	sdelay $0x4  }
0x92: {  	v42 =	vshll.u32 v3, $0x1  }
0x93: {  	v3 =	vand.u32 $0x7, v3;
	v4 =	vand.u32 $0xFFFFFFF0, v42  }
0x94: {  	v3 =	vor.u32 v3, v4  }
0x95: {  	v4 =	vperm.xlane v3, v0;
	_ =	sdelay $0x1  }
0x96: {  	v3 =	vperm.xlane v3, v2;
	v4 =	vadd.s32 v1, v4;
	_ =	sdelay $0x1  }
0x97: {  	v3 =	vadd.s32 v1, v3;
	_ =	sdelay $0x1  }
0x98: {  	s1 =	rddreg [dreg:$0xa]  }
0x99: {  	[tilespmem:s1], [sflag:$0x2] =	stream.indirect_vreg.gather [hbm4b:s4+s2], $0x80, v4, vm0, $0xb8;
	[tilespmem:$0x18200] =	vst v63  }
0x9a: {  	s25 =	rddreg [dreg:$0xb]  }
0x9b: {  	[tilespmem:s25], [sflag:$0x2] =	stream.indirect_vreg.gather [hbm4b:s4+s2], $0x80, v3, vm0, $0xb8;
	[tilespmem:$0x18200] =	vst v63  }
0x9c: {  	v3 =	vld [tilespmem:$0xB0];
	_ =	sdelay $0x4  }
0x9d: {  	v43 =	vshll.u32 v3, $0x1  }
0x9e: {  	v3 =	vand.u32 $0x7, v3;
	v4 =	vand.u32 $0xFFFFFFF0, v43  }
0x9f: {  	v3 =	vor.u32 v3, v4  }
0xa0: {  	v4 =	vperm.xlane v3, v0;
	_ =	sdelay $0x1  }
0xa1: {  	v3 =	vperm.xlane v3, v2;
	v4 =	vadd.s32 v1, v4;
	_ =	sdelay $0x1  }
0xa2: {  	v3 =	vadd.s32 v1, v3;
	_ =	sdelay $0x1  }
0xa3: {  	s1 =	rddreg [dreg:$0xc]  }
0xa4: {  	[tilespmem:s1], [sflag:$0x2] =	stream.indirect_vreg.gather [hbm4b:s4+s2], $0x80, v4, vm0, $0xb8;
	[tilespmem:$0x18200] =	vst v63  }
0xa5: {  	s25 =	rddreg [dreg:$0xd]  }
0xa6: {  	[tilespmem:s25], [sflag:$0x2] =	stream.indirect_vreg.gather [hbm4b:s4+s2], $0x80, v3, vm0, $0xb8;
	[tilespmem:$0x18200] =	vst v63  }
0xa7: {  	v3 =	vld [tilespmem:$0xC0];
	_ =	sdelay $0x4  }
0xa8: {  	v44 =	vshll.u32 v3, $0x1  }
0xa9: {  	v3 =	vand.u32 $0x7, v3;
	v4 =	vand.u32 $0xFFFFFFF0, v44  }
0xaa: {  	v3 =	vor.u32 v3, v4  }
0xab: {  	v4 =	vperm.xlane v3, v0;
	_ =	sdelay $0x1  }
0xac: {  	v3 =	vperm.xlane v3, v2;
	v4 =	vadd.s32 v1, v4;
	_ =	sdelay $0x1  }
0xad: {  	v3 =	vadd.s32 v1, v3;
	_ =	sdelay $0x1  }
0xae: {  	s1 =	rddreg [dreg:$0xe]  }
0xaf: {  	[tilespmem:s1], [sflag:$0x2] =	stream.indirect_vreg.gather [hbm4b:s4+s2], $0x80, v4, vm0, $0xb8;
	[tilespmem:$0x18200] =	vst v63  }
0xb0: {  	s25 =	rddreg [dreg:$0xf]  }
0xb1: {  	[tilespmem:s25], [sflag:$0x2] =	stream.indirect_vreg.gather [hbm4b:s4+s2], $0x80, v3, vm0, $0xb8;
	[tilespmem:$0x18200] =	vst v63  }
0xb2: {  	v3 =	vld [tilespmem:$0xD0];
	_ =	sdelay $0x4  }
0xb3: {  	v45 =	vshll.u32 v3, $0x1  }
0xb4: {  	v3 =	vand.u32 $0x7, v3;
	v4 =	vand.u32 $0xFFFFFFF0, v45  }
0xb5: {  	v3 =	vor.u32 v3, v4  }
0xb6: {  	v4 =	vperm.xlane v3, v0;
	_ =	sdelay $0x1  }
0xb7: {  	v3 =	vperm.xlane v3, v2;
	v4 =	vadd.s32 v1, v4;
	_ =	sdelay $0x1  }
0xb8: {  	v3 =	vadd.s32 v1, v3;
	_ =	sdelay $0x1  }
0xb9: {  	s1 =	rddreg [dreg:$0x10]  }
0xba: {  	[tilespmem:s1], [sflag:$0x2] =	stream.indirect_vreg.gather [hbm4b:s4+s2], $0x80, v4, vm0, $0xb8;
	[tilespmem:$0x18200] =	vst v63  }
0xbb: {  	s25 =	rddreg [dreg:$0x11]  }
0xbc: {  	[tilespmem:s25], [sflag:$0x2] =	stream.indirect_vreg.gather [hbm4b:s4+s2], $0x80, v3, vm0, $0xb8;
	[tilespmem:$0x18200] =	vst v63  }
0xbd: {  	v3 =	vld [tilespmem:$0xE0];
	_ =	sdelay $0x4  }
0xbe: {  	v46 =	vshll.u32 v3, $0x1  }
0xbf: {  	v3 =	vand.u32 $0x7, v3;
	v4 =	vand.u32 $0xFFFFFFF0, v46  }
0xc0: {  	v3 =	vor.u32 v3, v4  }
0xc1: {  	v4 =	vperm.xlane v3, v0;
	_ =	sdelay $0x1  }
0xc2: {  	v3 =	vperm.xlane v3, v2;
	v4 =	vadd.s32 v1, v4;
	_ =	sdelay $0x1  }
0xc3: {  	v3 =	vadd.s32 v1, v3;
	_ =	sdelay $0x1  }
0xc4: {  	s1 =	rddreg [dreg:$0x12]  }
0xc5: {  	[tilespmem:s1], [sflag:$0x2] =	stream.indirect_vreg.gather [hbm4b:s4+s2], $0x80, v4, vm0, $0xb8;
	[tilespmem:$0x18200] =	vst v63  }
0xc6: {  	s25 =	rddreg [dreg:$0x13]  }
0xc7: {  	[tilespmem:s25], [sflag:$0x2] =	stream.indirect_vreg.gather [hbm4b:s4+s2], $0x80, v3, vm0, $0xb8;
	[tilespmem:$0x18200] =	vst v63  }
0xc8: {  	v3 =	vld [tilespmem:$0xF0];
	_ =	sdelay $0x4  }
0xc9: {  	v47 =	vshll.u32 v3, $0x1  }
0xca: {  	v3 =	vand.u32 $0x7, v3;
	v4 =	vand.u32 $0xFFFFFFF0, v47  }
0xcb: {  	v3 =	vor.u32 v3, v4  }
0xcc: {  	v4 =	vperm.xlane v3, v0;
	_ =	sdelay $0x1  }
0xcd: {  	v3 =	vperm.xlane v3, v2;
	v4 =	vadd.s32 v1, v4;
	_ =	sdelay $0x1  }
0xce: {  	v3 =	vadd.s32 v1, v3;
	_ =	sdelay $0x1  }
0xcf: {  	s1 =	rddreg [dreg:$0x14]  }
0xd0: {  	[tilespmem:s1], [sflag:$0x2] =	stream.indirect_vreg.gather [hbm4b:s4+s2], $0x80, v4, vm0, $0xb8;
	[tilespmem:$0x18200] =	vst v63  }
0xd1: {  	s25 =	rddreg [dreg:$0x15]  }
0xd2: {  	[tilespmem:s25], [sflag:$0x2] =	stream.indirect_vreg.gather [hbm4b:s4+s2], $0x80, v3, vm0, $0xb8;
	[tilespmem:$0x18200] =	vst v63  }
0xd3: {  	v3 =	vld [tilespmem:$0x100];
	_ =	sdelay $0x4  }
0xd4: {  	v48 =	vshll.u32 v3, $0x1  }
0xd5: {  	v3 =	vand.u32 $0x7, v3;
	v4 =	vand.u32 $0xFFFFFFF0, v48  }
0xd6: {  	v3 =	vor.u32 v3, v4  }
0xd7: {  	v4 =	vperm.xlane v3, v0;
	_ =	sdelay $0x1  }
0xd8: {  	v3 =	vperm.xlane v3, v2;
	v4 =	vadd.s32 v1, v4;
	_ =	sdelay $0x1  }
0xd9: {  	v3 =	vadd.s32 v1, v3;
	_ =	sdelay $0x2  }
0xda: {  	[tilespmem:s24], [sflag:$0x3] =	stream.indirect_vreg.gather [hbm4b:s4+s2], $0x80, v4, vm0, $0xb8;
	[tilespmem:$0x18200] =	vst v63  }
0xdb: {  	s25 =	rddreg [dreg:$0x16]  }
0xdc: {  	[tilespmem:s25], [sflag:$0x3] =	stream.indirect_vreg.gather [hbm4b:s4+s2], $0x80, v3, vm0, $0xb8;
	[tilespmem:$0x18200] =	vst v63  }
0xdd: {  	v3 =	vld [tilespmem:$0x110];
	_ =	sdelay $0x4  }
0xde: {  	v49 =	vshll.u32 v3, $0x1  }
0xdf: {  	v3 =	vand.u32 $0x7, v3;
	v4 =	vand.u32 $0xFFFFFFF0, v49  }
0xe0: {  	v3 =	vor.u32 v3, v4  }
0xe1: {  	v4 =	vperm.xlane v3, v0;
	_ =	sdelay $0x1  }
0xe2: {  	v3 =	vperm.xlane v3, v2;
	v4 =	vadd.s32 v1, v4;
	_ =	sdelay $0x1  }
0xe3: {  	v3 =	vadd.s32 v1, v3;
	_ =	sdelay $0x1  }
0xe4: {  	s1 =	rddreg [dreg:$0x17]  }
0xe5: {  	[tilespmem:s1], [sflag:$0x3] =	stream.indirect_vreg.gather [hbm4b:s4+s2], $0x80, v4, vm0, $0xb8;
	[tilespmem:$0x18200] =	vst v63  }
0xe6: {  	s25 =	rddreg [dreg:$0x18]  }
0xe7: {  	[tilespmem:s25], [sflag:$0x3] =	stream.indirect_vreg.gather [hbm4b:s4+s2], $0x80, v3, vm0, $0xb8;
	[tilespmem:$0x18200] =	vst v63  }
0xe8: {  	v3 =	vld [tilespmem:$0x120];
	_ =	sdelay $0x4  }
0xe9: {  	v50 =	vshll.u32 v3, $0x1  }
0xea: {  	v3 =	vand.u32 $0x7, v3;
	v4 =	vand.u32 $0xFFFFFFF0, v50  }
0xeb: {  	v3 =	vor.u32 v3, v4  }
0xec: {  	v4 =	vperm.xlane v3, v0;
	_ =	sdelay $0x1  }
0xed: {  	v3 =	vperm.xlane v3, v2;
	v4 =	vadd.s32 v1, v4;
	_ =	sdelay $0x1  }
0xee: {  	v3 =	vadd.s32 v1, v3;
	_ =	sdelay $0x1  }
0xef: {  	s1 =	rddreg [dreg:$0x19]  }
0xf0: {  	[tilespmem:s1], [sflag:$0x3] =	stream.indirect_vreg.gather [hbm4b:s4+s2], $0x80, v4, vm0, $0xb8;
	[tilespmem:$0x18200] =	vst v63  }
0xf1: {  	s25 =	rddreg [dreg:$0x1a]  }
0xf2: {  	[tilespmem:s25], [sflag:$0x3] =	stream.indirect_vreg.gather [hbm4b:s4+s2], $0x80, v3, vm0, $0xb8;
	[tilespmem:$0x18200] =	vst v63  }
0xf3: {  	v3 =	vld [tilespmem:$0x130];
	_ =	sdelay $0x4  }
0xf4: {  	v51 =	vshll.u32 v3, $0x1  }
0xf5: {  	v3 =	vand.u32 $0x7, v3;
	v4 =	vand.u32 $0xFFFFFFF0, v51  }
0xf6: {  	v3 =	vor.u32 v3, v4  }
0xf7: {  	v4 =	vperm.xlane v3, v0;
	_ =	sdelay $0x1  }
0xf8: {  	v3 =	vperm.xlane v3, v2;
	v4 =	vadd.s32 v1, v4;
	_ =	sdelay $0x1  }
0xf9: {  	v3 =	vadd.s32 v1, v3;
	_ =	sdelay $0x1  }
0xfa: {  	s1 =	rddreg [dreg:$0x1b]  }
0xfb: {  	[tilespmem:s1], [sflag:$0x3] =	stream.indirect_vreg.gather [hbm4b:s4+s2], $0x80, v4, vm0, $0xb8;
	[tilespmem:$0x18200] =	vst v63  }
0xfc: {  	s25 =	rddreg [dreg:$0x1c]  }
0xfd: {  	[tilespmem:s25], [sflag:$0x3] =	stream.indirect_vreg.gather [hbm4b:s4+s2], $0x80, v3, vm0, $0xb8;
	[tilespmem:$0x18200] =	vst v63  }
0xfe: {  	v3 =	vld [tilespmem:$0x140];
	_ =	sdelay $0x4  }
0xff: {  	v52 =	vshll.u32 v3, $0x1  }
0x100: {  	v3 =	vand.u32 $0x7, v3;
	v4 =	vand.u32 $0xFFFFFFF0, v52  }
0x101: {  	v3 =	vor.u32 v3, v4  }
0x102: {  	v4 =	vperm.xlane v3, v0;
	_ =	sdelay $0x1  }
0x103: {  	v3 =	vperm.xlane v3, v2;
	v4 =	vadd.s32 v1, v4;
	_ =	sdelay $0x1  }
0x104: {  	v3 =	vadd.s32 v1, v3;
	_ =	sdelay $0x1  }
0x105: {  	s1 =	rddreg [dreg:$0x1d]  }
0x106: {  	[tilespmem:s1], [sflag:$0x3] =	stream.indirect_vreg.gather [hbm4b:s4+s2], $0x80, v4, vm0, $0xb8;
	[tilespmem:$0x18200] =	vst v63  }
0x107: {  	s25 =	rddreg [dreg:$0x1e]  }
0x108: {  	[tilespmem:s25], [sflag:$0x3] =	stream.indirect_vreg.gather [hbm4b:s4+s2], $0x80, v3, vm0, $0xb8;
	[tilespmem:$0x18200] =	vst v63  }
0x109: {  	v3 =	vld [tilespmem:$0x150];
	_ =	sdelay $0x4  }
0x10a: {  	v53 =	vshll.u32 v3, $0x1  }
0x10b: {  	v3 =	vand.u32 $0x7, v3;
	v4 =	vand.u32 $0xFFFFFFF0, v53  }
0x10c: {  	v3 =	vor.u32 v3, v4  }
0x10d: {  	v4 =	vperm.xlane v3, v0;
	_ =	sdelay $0x1  }
0x10e: {  	v3 =	vperm.xlane v3, v2;
	v4 =	vadd.s32 v1, v4;
	_ =	sdelay $0x1  }
0x10f: {  	v3 =	vadd.s32 v1, v3  }
0x110: {  	s1 =	rddreg [dreg:$0x1f]  }
0x111: {  	s25 =	sld [smem:$0x7FA]  }
0x112: {  	[tilespmem:s1], [sflag:$0x3] =	stream.indirect_vreg.gather [hbm4b:s4+s2], $0x80, v4, vm0, $0xb8;
	[tilespmem:$0x18200] =	vst v63  }
0x113: {  	_ = 	snop  }
0x114: {  	[tilespmem:s25], [sflag:$0x3] =	stream.indirect_vreg.gather [hbm4b:s4+s2], $0x80, v3, vm0, $0xb8;
	[tilespmem:$0x18200] =	vst v63  }
0x115: {  	v3 =	vld [tilespmem:$0x160];
	_ =	sdelay $0x4  }
0x116: {  	v54 =	vshll.u32 v3, $0x1  }
0x117: {  	v3 =	vand.u32 $0x7, v3;
	v4 =	vand.u32 $0xFFFFFFF0, v54  }
0x118: {  	v3 =	vor.u32 v3, v4  }
0x119: {  	v4 =	vperm.xlane v3, v0;
	_ =	sdelay $0x1  }
0x11a: {  	v3 =	vperm.xlane v3, v2;
	v4 =	vadd.s32 v1, v4;
	_ =	sdelay $0x1  }
0x11b: {  	s1 =	sld [smem:$0x7FB];
	v3 =	vadd.s32 v1, v3;
	_ =	sdelay $0x1  }
0x11c: {  	s25 =	sld [smem:$0x7FC]  }
0x11d: {  	[tilespmem:s1], [sflag:$0x3] =	stream.indirect_vreg.gather [hbm4b:s4+s2], $0x80, v4, vm0, $0xb8;
	[tilespmem:$0x18200] =	vst v63  }
0x11e: {  	_ = 	snop  }
0x11f: {  	[tilespmem:s25], [sflag:$0x3] =	stream.indirect_vreg.gather [hbm4b:s4+s2], $0x80, v3, vm0, $0xb8;
	[tilespmem:$0x18200] =	vst v63  }
0x120: {  	v3 =	vld [tilespmem:$0x170];
	_ =	sdelay $0x4  }
0x121: {  	v55 =	vshll.u32 v3, $0x1  }
0x122: {  	v3 =	vand.u32 $0x7, v3;
	v4 =	vand.u32 $0xFFFFFFF0, v55  }
0x123: {  	v3 =	vor.u32 v3, v4  }
0x124: {  	v4 =	vperm.xlane v3, v0;
	_ =	sdelay $0x1  }
0x125: {  	v3 =	vperm.xlane v3, v2;
	v4 =	vadd.s32 v1, v4;
	_ =	sdelay $0x1  }
0x126: {  	s25 =	sld [smem:$0x7FD];
	v3 =	vadd.s32 v1, v3;
	_ =	sdelay $0x2  }
0x127: {  	[tilespmem:s25], [sflag:$0x3] =	stream.indirect_vreg.gather [hbm4b:s4+s2], $0x80, v4, vm0, $0xb8;
	[tilespmem:$0x18200] =	vst v63  }
0x128: {  	s25 =	simm.s32 $0x17A00  }
0x129: {  	[tilespmem:s25], [sflag:$0x3] =	stream.indirect_vreg.gather [hbm4b:s4+s2], $0x80, v3, vm0, $0xb8;
	[tilespmem:$0x18200] =	vst v63  }
0x12a: {  	_ =	swait.ge [sflag:s26], $0x8000  }
0x12b: {  	[sflag:s26] =	ssyncset.done $0x0  }
0x12c: {  	[sflag:s26] =	ssyncadd.s32 $0xFFFF8000  }
0x12d: {  	[hbm4b:s3+s2] =	stream.linear.scatter [tilespmem:s7], [sflag:$0x4], $0x8000, $0x38;
	[tilespmem:$0x18200] =	vst v63  }
0x12e: {  	_ =	swait.ge [sflag:s28], $0x8000  }
0x12f: {  	[sflag:s28] =	ssyncset.done $0x0  }
0x130: {  	[sflag:s28] =	ssyncadd.s32 $0xFFFF8000  }
0x131: {  	v3 =	vld [tilespmem:$0x180];
	_ =	sdelay $0x4  }
0x132: {  	v56 =	vshll.u32 v3, $0x1  }
0x133: {  	v3 =	vand.u32 $0x7, v3;
	v4 =	vand.u32 $0xFFFFFFF0, v56  }
0x134: {  	v3 =	vor.u32 v3, v4  }
0x135: {  	v4 =	vperm.xlane v3, v0;
	_ =	sdelay $0x1  }
0x136: {  	v3 =	vperm.xlane v3, v2;
	v4 =	vadd.s32 v1, v4;
	_ =	sdelay $0x1  }
0x137: {  	v3 =	vadd.s32 v1, v3;
	_ =	sdelay $0x2  }
0x138: {  	[tilespmem:s7], [sflag:$0x1] =	stream.indirect_vreg.gather [hbm4b:s4+s2], $0x80, v4, vm0, $0xb8;
	[tilespmem:$0x18200] =	vst v63  }
0x139: {  	_ = 	snop  }
0x13a: {  	[tilespmem:s8], [sflag:$0x1] =	stream.indirect_vreg.gather [hbm4b:s4+s2], $0x80, v3, vm0, $0xb8;
	[tilespmem:$0x18200] =	vst v63  }
0x13b: {  	v3 =	vld [tilespmem:$0x190];
	_ =	sdelay $0x4  }
0x13c: {  	v57 =	vshll.u32 v3, $0x1  }
0x13d: {  	v3 =	vand.u32 $0x7, v3;
	v4 =	vand.u32 $0xFFFFFFF0, v57  }
0x13e: {  	v3 =	vor.u32 v3, v4  }
0x13f: {  	v4 =	vperm.xlane v3, v0;
	_ =	sdelay $0x1  }
0x140: {  	v3 =	vperm.xlane v3, v2;
	v4 =	vadd.s32 v1, v4;
	_ =	sdelay $0x1  }
0x141: {  	v3 =	vadd.s32 v1, v3;
	_ =	sdelay $0x2  }
0x142: {  	[tilespmem:s9], [sflag:$0x1] =	stream.indirect_vreg.gather [hbm4b:s4+s2], $0x80, v4, vm0, $0xb8;
	[tilespmem:$0x18200] =	vst v63  }
0x143: {  	_ = 	snop  }
0x144: {  	[tilespmem:s10], [sflag:$0x1] =	stream.indirect_vreg.gather [hbm4b:s4+s2], $0x80, v3, vm0, $0xb8;
	[tilespmem:$0x18200] =	vst v63  }
0x145: {  	v3 =	vld [tilespmem:$0x1A0];
	_ =	sdelay $0x4  }
0x146: {  	v58 =	vshll.u32 v3, $0x1  }
0x147: {  	v3 =	vand.u32 $0x7, v3;
	v4 =	vand.u32 $0xFFFFFFF0, v58  }
0x148: {  	v3 =	vor.u32 v3, v4  }
0x149: {  	v4 =	vperm.xlane v3, v0;
	_ =	sdelay $0x1  }
0x14a: {  	v3 =	vperm.xlane v3, v2;
	v4 =	vadd.s32 v1, v4;
	_ =	sdelay $0x1  }
0x14b: {  	v3 =	vadd.s32 v1, v3;
	_ =	sdelay $0x2  }
0x14c: {  	[tilespmem:s11], [sflag:$0x1] =	stream.indirect_vreg.gather [hbm4b:s4+s2], $0x80, v4, vm0, $0xb8;
	[tilespmem:$0x18200] =	vst v63  }
0x14d: {  	_ = 	snop  }
0x14e: {  	[tilespmem:s12], [sflag:$0x1] =	stream.indirect_vreg.gather [hbm4b:s4+s2], $0x80, v3, vm0, $0xb8;
	[tilespmem:$0x18200] =	vst v63  }
0x14f: {  	v3 =	vld [tilespmem:$0x1B0];
	_ =	sdelay $0x4  }
0x150: {  	v59 =	vshll.u32 v3, $0x1  }
0x151: {  	v3 =	vand.u32 $0x7, v3;
	v4 =	vand.u32 $0xFFFFFFF0, v59  }
0x152: {  	v3 =	vor.u32 v3, v4  }
0x153: {  	v4 =	vperm.xlane v3, v0;
	_ =	sdelay $0x1  }
0x154: {  	v3 =	vperm.xlane v3, v2;
	v4 =	vadd.s32 v1, v4;
	_ =	sdelay $0x1  }
0x155: {  	v3 =	vadd.s32 v1, v3;
	_ =	sdelay $0x2  }
0x156: {  	[tilespmem:s13], [sflag:$0x1] =	stream.indirect_vreg.gather [hbm4b:s4+s2], $0x80, v4, vm0, $0xb8;
	[tilespmem:$0x18200] =	vst v63  }
0x157: {  	_ = 	snop  }
0x158: {  	[tilespmem:s14], [sflag:$0x1] =	stream.indirect_vreg.gather [hbm4b:s4+s2], $0x80, v3, vm0, $0xb8;
	[tilespmem:$0x18200] =	vst v63  }
0x159: {  	v3 =	vld [tilespmem:$0x1C0];
	_ =	sdelay $0x4  }
0x15a: {  	v60 =	vshll.u32 v3, $0x1  }
0x15b: {  	v3 =	vand.u32 $0x7, v3;
	v4 =	vand.u32 $0xFFFFFFF0, v60  }
0x15c: {  	v3 =	vor.u32 v3, v4  }
0x15d: {  	v4 =	vperm.xlane v3, v0;
	_ =	sdelay $0x1  }
0x15e: {  	v3 =	vperm.xlane v3, v2;
	v4 =	vadd.s32 v1, v4;
	_ =	sdelay $0x1  }
0x15f: {  	v3 =	vadd.s32 v1, v3;
	_ =	sdelay $0x2  }
0x160: {  	[tilespmem:s15], [sflag:$0x1] =	stream.indirect_vreg.gather [hbm4b:s4+s2], $0x80, v4, vm0, $0xb8;
	[tilespmem:$0x18200] =	vst v63  }
0x161: {  	_ = 	snop  }
0x162: {  	[tilespmem:s16], [sflag:$0x1] =	stream.indirect_vreg.gather [hbm4b:s4+s2], $0x80, v3, vm0, $0xb8;
	[tilespmem:$0x18200] =	vst v63  }
0x163: {  	v3 =	vld [tilespmem:$0x1D0];
	_ =	sdelay $0x4  }
0x164: {  	v61 =	vshll.u32 v3, $0x1  }
0x165: {  	v3 =	vand.u32 $0x7, v3;
	v4 =	vand.u32 $0xFFFFFFF0, v61  }
0x166: {  	v3 =	vor.u32 v3, v4  }
0x167: {  	v4 =	vperm.xlane v3, v0;
	_ =	sdelay $0x1  }
0x168: {  	v3 =	vperm.xlane v3, v2;
	v4 =	vadd.s32 v1, v4;
	_ =	sdelay $0x1  }
0x169: {  	v3 =	vadd.s32 v1, v3;
	_ =	sdelay $0x2  }
0x16a: {  	[tilespmem:s17], [sflag:$0x1] =	stream.indirect_vreg.gather [hbm4b:s4+s2], $0x80, v4, vm0, $0xb8;
	[tilespmem:$0x18200] =	vst v63  }
0x16b: {  	_ = 	snop  }
0x16c: {  	[tilespmem:s18], [sflag:$0x1] =	stream.indirect_vreg.gather [hbm4b:s4+s2], $0x80, v3, vm0, $0xb8;
	[tilespmem:$0x18200] =	vst v63  }
0x16d: {  	v3 =	vld [tilespmem:$0x1E0];
	_ =	sdelay $0x4  }
0x16e: {  	v62 =	vshll.u32 v3, $0x1  }
0x16f: {  	v3 =	vand.u32 $0x7, v3;
	v4 =	vand.u32 $0xFFFFFFF0, v62  }
0x170: {  	v3 =	vor.u32 v3, v4  }
0x171: {  	v4 =	vperm.xlane v3, v0;
	_ =	sdelay $0x1  }
0x172: {  	v3 =	vperm.xlane v3, v2;
	v4 =	vadd.s32 v1, v4;
	_ =	sdelay $0x1  }
0x173: {  	v3 =	vadd.s32 v1, v3;
	_ =	sdelay $0x2  }
0x174: {  	[tilespmem:s19], [sflag:$0x1] =	stream.indirect_vreg.gather [hbm4b:s4+s2], $0x80, v4, vm0, $0xb8;
	[tilespmem:$0x18200] =	vst v63  }
0x175: {  	_ = 	snop  }
0x176: {  	[tilespmem:s20], [sflag:$0x1] =	stream.indirect_vreg.gather [hbm4b:s4+s2], $0x80, v3, vm0, $0xb8;
	[tilespmem:$0x18200] =	vst v63  }
0x177: {  	v3 =	vld [tilespmem:$0x1F0];
	_ =	sdelay $0x4  }
0x178: {  	v63 =	vshll.u32 v3, $0x1  }
0x179: {  	v3 =	vand.u32 $0x7, v3;
	v4 =	vand.u32 $0xFFFFFFF0, v63  }
0x17a: {  	v3 =	vor.u32 v3, v4  }
0x17b: {  	v4 =	vperm.xlane v3, v0;
	_ =	sdelay $0x1  }
0x17c: {  	v3 =	vperm.xlane v3, v2;
	v4 =	vadd.s32 v1, v4;
	_ =	sdelay $0x1  }
0x17d: {  	v3 =	vadd.s32 v1, v3;
	_ =	sdelay $0x2  }
0x17e: {  	[tilespmem:s21], [sflag:$0x1] =	stream.indirect_vreg.gather [hbm4b:s4+s2], $0x80, v4, vm0, $0xb8;
	[tilespmem:$0x18200] =	vst v63  }
0x17f: {  	_ = 	snop  }
0x180: {  	[tilespmem:s22], [sflag:$0x1] =	stream.indirect_vreg.gather [hbm4b:s4+s2], $0x80, v3, vm0, $0xb8;
	[tilespmem:$0x18200] =	vst v63  }
0x181: {  	_ =	swait.ge [sflag:s29], $0x8000  }
0x182: {  	[sflag:s29] =	ssyncset.done $0x0  }
0x183: {  	s25 =	rddreg [dreg:$0x4];
	[sflag:s29] =	ssyncadd.s32 $0xFFFF8000  }
0x184: {  	[hbm4b:s25+s2] =	stream.linear.scatter [tilespmem:s23], [sflag:$0x5], $0x8000, $0x38;
	[tilespmem:$0x18200] =	vst v63  }
0x185: {  	_ =	swait.ge [sflag:s30], $0x8000  }
0x186: {  	[sflag:s30] =	ssyncset.done $0x0  }
0x187: {  	s25 =	rddreg [dreg:$0x5];
	[sflag:s30] =	ssyncadd.s32 $0xFFFF8000  }
0x188: {  	[hbm4b:s25+s2] =	stream.linear.scatter [tilespmem:s24], [sflag:$0x6], $0x8000, $0x38;
	[tilespmem:$0x18200] =	vst v63  }
0x189: {  	_ =	swait.ge [sflag:s26], $0x8000  }
0x18a: {  	[sflag:s26] =	ssyncset.done $0x0  }
0x18b: {  	s25 =	rddreg [dreg:$0x6];
	[sflag:s26] =	ssyncadd.s32 $0xFFFF8000  }
0x18c: {  	[hbm4b:s25+s2] =	stream.linear.scatter [tilespmem:s7], [sflag:$0x4], $0x8000, $0x38;
	[tilespmem:$0x18200] =	vst v63  }
0x18d: {  	_ =	swait.ge [sflag:s31], $0x8000  }
0x18e: {  	[sflag:s31] =	ssyncset.done $0x0  }
0x18f: {  	[sflag:s31] =	ssyncadd.s32 $0xFFFF8000  }
0x190: {  	p0 =	sne.s32 s5, $0x1;
	_ =	swait.ge [sflag:s0], $0x8000  }
.Ltmp0:
0x191: {  	[sflag:s0] =	ssyncset.done $0x0;
	(pc) =	sbr.rel @p0 .LBB2_1-.Ltmp0, $4  }
0x192: {  	[sflag:s0] =	ssyncadd.s32 $0xFFFF8000  }
0x193: {  	_ =	swait.ge [sflag:s28], $0x8000  }
0x194: {  	[sflag:s28] =	ssyncset.done $0x0  }
0x195: {  	s5 =	sadd.s32 $0xFFFFFFFF, s5;
	[sflag:s28] =	ssyncadd.s32 $0xFFFF8000  }
0x196: {  	_ =	sfence.sel $0x180000  }
0x197: {  	[bflag:$0x0] =	sbarrier.arrive $0xFFFF  }
0x198: {  	_ =	strace $0x90000047  }
0x199: {  	s0 =	stileid.u32;
	[bflag:$0x2] =	sbarrier.arrive $0xFFFF  }
0x19a: {  	p0 =	sne.s32 s0, $0x0;
	s0 =	rddreg [dreg:$0x2]  }
0x19b: {  	s0 =	sadd.s32 @!p0 $0x100000, s0  }
0x19c: {  	[sflag:s0] =	ssyncadd.tile.s32 @!p0 $0x1;
	_ =	shalt  }
.Lfunc_end2:
_tile_overlayer_lowered:
.L_overlay_start_2:
0x19d: {  	(tag) =	ssettag $0x2  }
0x19e: {  	s0 =	rddreg [dreg:$0x0];
	s2 =	stileid.u32  }
0x19f: {  	s1 =	rddreg [dreg:$0x1];
	p0 =	sne.s32 s2, $0x0  }
0x1a0: {  	s3 =	rddreg [dreg:$0x2];
	[bflag:$0x3] =	sbarrier.arrive $0xFFFF;
	s2 =	simm.s32 @!p0 $0x1C07  }
0x1a1: {  	[timem:s3], [sflag:s2] =	dma.local @!p0 [hbm:s0], s1  }
0x1a2: {  	s0 =	simm.s32 @!p0 $0x7  }
0x1a3: {  	_ =	swait.ge @!p0 [sflag:s0], s1  }
0x1a4: {  	s1 =	ssub.s32 @!p0 $0x0, s1;
	[sflag:s0] =	ssyncset.done @!p0 $0x0  }
0x1a5: {  	[sflag:s0] =	ssyncadd.s32 @!p0 s1  }
0x1a6: {  	[bflag:$0x3] =	sbarrier.arrive $0xFFFF  }
0x1a7: {  	_ =	shalt  }

</sc_bundles>
